<compile_context>
chip_gen: v7x
topology: tpu7x:2x2x1
jax: 0.10.2.dev20260603
libtpu: 0.0.44.dev20260713+nightly
codegen_flags: <defaults>
</compile_context>

<pallas_src>
import functools

import jax
import jax.numpy as jnp
from jax import lax
from jax.experimental import pallas as pl
from jax.experimental.pallas import tpu as pltpu
from jax.experimental.pallas import tpu_sc as plsc

N, E, DN, DE, H = 10000, 320000, 128, 128, 128

NC, NS = 2, 16
NW = NC * NS
EPW = E // NW
K = 80
CH = EPW // K
NPAD = 10240
NPS = NPAD // NS

_mesh = plsc.VectorSubcoreMesh(core_axis_name="c", subcore_axis_name="s")


@functools.partial(
    pl.kernel,
    out_type=jax.ShapeDtypeStruct((NC, NPAD, DE), jnp.float32),
    mesh=_mesh,
    scratch_types=[
        pltpu.VMEM((CH, K), jnp.int32),
        pltpu.VMEM((3, K, DE), jnp.float32),
        pltpu.VMEM_SHARED((NPAD, DE), jnp.float32),
        pltpu.SemaphoreType.DMA,
        pltpu.SemaphoreType.DMA,
        pltpu.SemaphoreType.DMA,
        pltpu.SemaphoreType.DMA,
        pltpu.SemaphoreType.DMA,
        pltpu.SemaphoreType.DMA,
        pltpu.SemaphoreType.DMA,
    ],
)
def _segment_sum_sc(edge_hbm, col_hbm, out_hbm, idx_v, ebuf, shared,
                    gsem0, gsem1, gsem2, ssem0, ssem1, ssem2, isem):
    c = lax.axis_index("c")
    s = lax.axis_index("s")
    w = c * NS + s

    gsems = (gsem0, gsem1, gsem2)
    ssems = (ssem0, ssem1, ssem2)
    ebase = w * EPW

    def _gather(j, b):
        return pltpu.async_copy(
            edge_hbm.at[pl.ds(ebase + j * K, K)], ebuf.at[b], gsems[b])

    def _gather_wait(j, b):
        pltpu.make_async_copy(
            edge_hbm.at[pl.ds(ebase + j * K, K)], ebuf.at[b], gsems[b]).wait()

    def _scatter(j, b):
        pltpu.async_copy(ebuf.at[b], shared.at[idx_v.at[j]], ssems[b],
                         add=True)

    def _scatter_wait(j, b):
        pltpu.make_async_copy(
            ebuf.at[b], shared.at[idx_v.at[j]], ssems[b]).wait()

    icopy = pltpu.async_copy(col_hbm.at[1].at[w], idx_v, isem)
    _gather(0, 0)
    _gather(1, 1)

    def _zero_body(i, _):
        r = i // (DE // 16)
        q = i % (DE // 16)
        ebuf[2, r, pl.ds(q * 16, 16)] = jnp.zeros((16,), jnp.float32)
        return 0

    lax.fori_loop(0, K * (DE // 16), _zero_body, 0)
    base = s * NPS
    for t in range(NPS // K):
        pltpu.sync_copy(ebuf.at[2], shared.at[pl.ds(base + t * K, K)])
    icopy.wait()
    plsc.subcore_barrier()

    def _slot_body(i, _):
        for b in range(3):
            j = 3 * i + b
            _gather_wait(j, b)
            _scatter(j, b)
            b2 = (b + 2) % 3

            @pl.when(j + 2 < CH)
            def _():
                @pl.when(j > 0)
                def _():
                    _scatter_wait(j - 1, b2)

                _gather(j + 2, b2)
        return 0

    lax.fori_loop(0, CH // 3, _slot_body, 0)
    for j in range(CH - 2, CH):
        b = j % 3
        _gather_wait(j, b)
        _scatter(j, b)
    for j in range(CH - 3, CH):
        _scatter_wait(j, j % 3)
    plsc.subcore_barrier()

    nd = NPS // K
    for t in range(nd):
        b = t % 3
        r0 = base + t * K
        if t >= 3:
            pltpu.make_async_copy(
                ebuf.at[b], out_hbm.at[c].at[pl.ds(base + (t - 3) * K, K)],
                gsems[b]).wait()
        pltpu.sync_copy(shared.at[pl.ds(r0, K)], ebuf.at[b])
        pltpu.async_copy(ebuf.at[b], out_hbm.at[c].at[pl.ds(r0, K)], gsems[b])
    for t in range(nd - 3, nd):
        b = t % 3
        pltpu.make_async_copy(
            ebuf.at[b], out_hbm.at[c].at[pl.ds(base + t * K, K)], gsems[b]
        ).wait()


BR = 2000


def _mlp_body(x_ref, agg_ref, w1x_ref, w1a_ref, b1_ref, w2_ref, b2_ref,
              w3_ref, b3_ref, g_ref, bb_ref, o_ref):
    x = x_ref[...]
    agg = agg_ref[0] + agg_ref[1]
    h = jnp.dot(x, w1x_ref[0], preferred_element_type=jnp.float32)
    h = h + jnp.dot(agg, w1a_ref[0], preferred_element_type=jnp.float32)
    h = jnp.maximum(h + b1_ref[...], 0.0)
    h = jnp.dot(h, w2_ref[...], preferred_element_type=jnp.float32)
    h = jnp.maximum(h + b2_ref[...], 0.0)
    h = jnp.dot(h, w3_ref[...], preferred_element_type=jnp.float32)
    h = h + b3_ref[...]
    m = jnp.mean(h, axis=-1, keepdims=True)
    d = h - m
    v = jnp.mean(d * d, axis=-1, keepdims=True)
    h = d * lax.rsqrt(v + 1e-5) * g_ref[...] + bb_ref[...]
    o_ref[...] = h + x


def _row_spec(shape):
    return pl.BlockSpec(shape, lambda i: (0,) * len(shape))


_mlp_call = pl.pallas_call(
    _mlp_body,
    grid=(N // BR,),
    in_specs=[
        pl.BlockSpec((BR, DN), lambda i: (i, 0)),
        pl.BlockSpec((NC, BR, DE), lambda i: (0, i, 0)),
        pl.BlockSpec((1, DN, H), lambda i: (0, 0, 0)),
        pl.BlockSpec((1, DE, H), lambda i: (1, 0, 0)),
        _row_spec((1, H)),
        _row_spec((H, H)),
        _row_spec((1, H)),
        _row_spec((H, DN)),
        _row_spec((1, DN)),
        _row_spec((1, DN)),
        _row_spec((1, DN)),
    ],
    out_specs=pl.BlockSpec((BR, DN), lambda i: (i, 0)),
    out_shape=jax.ShapeDtypeStruct((N, DN), jnp.float32),
)


def kernel(x, edge_index, edge_attr, W1, b1, W2, b2, W3, b3, ln_g, ln_b):
    ei = edge_index.astype(jnp.int32).reshape(2, NW, CH, K)
    w1s = W1.reshape(2, DN, H)
    aggs = _segment_sum_sc(edge_attr, ei)
    return _mlp_call(
        x, aggs, w1s, w1s,
        b1.reshape(1, H), W2, b2.reshape(1, H), W3, b3.reshape(1, DN),
        ln_g.reshape(1, DN), ln_b.reshape(1, DN),
    )

# --- scband reference (transcript-rebuilt; emitter-appended) ---
"""Pipeline reference for scband-node-processor-5205500363104 (READ-ONLY COPY).

The authoritative reference and input builder live on the scoring server;
editing this copy changes nothing except your own understanding.
"""

import jax, jax.numpy as jnp
import numpy as np

N, E, DN, DE, H = 10000, 320000, 128, 128, 128

def setup_inputs(seed: int = 0) -> dict:
    key = jax.random.key(seed)
    ks = jax.random.split(key, 12)
    x = jax.random.normal(ks[0], (N, DN), dtype=jnp.float32)
    edge_index = jax.random.randint(ks[1], (2, E), 0, N)
    edge_attr = jax.random.normal(ks[2], (E, DE), dtype=jnp.float32)
    in_dim = DN + DE
    W1 = jax.random.normal(ks[3], (in_dim, H), dtype=jnp.float32) / np.sqrt(in_dim)
    b1 = jnp.zeros((H,), dtype=jnp.float32)
    W2 = jax.random.normal(ks[4], (H, H), dtype=jnp.float32) / np.sqrt(H)
    b2 = jnp.zeros((H,), dtype=jnp.float32)
    W3 = jax.random.normal(ks[5], (H, DN), dtype=jnp.float32) / np.sqrt(H)
    b3 = jnp.zeros((DN,), dtype=jnp.float32)
    ln_g = jnp.ones((DN,), dtype=jnp.float32)
    ln_b = jnp.zeros((DN,), dtype=jnp.float32)
    return {"x": x, "edge_index": edge_index, "edge_attr": edge_attr,
            "W1": W1, "b1": b1, "W2": W2, "b2": b2, "W3": W3, "b3": b3,
            "ln_g": ln_g, "ln_b": ln_b}

def reference(x, edge_index, edge_attr, W1, b1, W2, b2, W3, b3, ln_g, ln_b):
    col = edge_index[1]
    nb_node = x.shape[0]
    agg = jax.ops.segment_sum(edge_attr, col, num_segments=nb_node)
    h = jnp.concatenate([x, agg], axis=-1)
    h = jax.nn.relu(h @ W1 + b1)
    h = jax.nn.relu(h @ W2 + b2)
    h = h @ W3 + b3
    mean = jnp.mean(h, axis=-1, keepdims=True)
    var = jnp.var(h, axis=-1, keepdims=True)
    h = (h - mean) / jnp.sqrt(var + 1e-5) * ln_g + ln_b
    return h + x

if __name__ == "__main__":
    import jax
    _d = setup_inputs()
    print(jax.jit(kernel)(*tuple(_d.values())))

</pallas_src>

<mosaic_0001>
#map = affine_map<(d0, d1) -> (0, 0)>
#map1 = affine_map<(d0, d1) -> (0, 0, 0, 0)>
#map2 = affine_map<(d0, d1) -> (0, 0, 0)>
module attributes {stable_mosaic.version = 14 : i64} {
  func.func @_segment_sum_sc(%arg0: i32, %arg1: i32, %arg2: memref<320000x128xf32, #tpu.memory_space<hbm>>, %arg3: memref<2x32x125x80xi32, #tpu.memory_space<hbm>>, %arg4: memref<2x10240x128xf32, #tpu.memory_space<hbm>>, %arg5: memref<125x80xi32, #tpu.memory_space<vmem>>, %arg6: memref<3x80x128xf32, #tpu.memory_space<vmem>>, %arg7: memref<10240x128xf32, #tpu.memory_space<vmem_shared>>, %arg8: memref<!tpu.dma_semaphore, #tpu.memory_space<semaphore_mem>>, %arg9: memref<!tpu.dma_semaphore, #tpu.memory_space<semaphore_mem>>, %arg10: memref<!tpu.dma_semaphore, #tpu.memory_space<semaphore_mem>>, %arg11: memref<!tpu.dma_semaphore, #tpu.memory_space<semaphore_mem>>, %arg12: memref<!tpu.dma_semaphore, #tpu.memory_space<semaphore_mem>>, %arg13: memref<!tpu.dma_semaphore, #tpu.memory_space<semaphore_mem>>, %arg14: memref<!tpu.dma_semaphore, #tpu.memory_space<semaphore_mem>>) attributes {dimension_semantics = [#tpu.dimension_semantics<core_parallel>, #tpu.dimension_semantics<subcore_parallel>], iteration_bounds = array<i64: 2, 16>, scalar_prefetch = 0 : i64, scratch_operands = 10 : i64, tpu.core_type = #tpu.core_type<sc_vector_subcore>, window_params = [{transform_indices = #map}, {transform_indices = #map1}, {transform_indices = #map2}]} {
    %mul3A = arith.constant 16 : i32
    %mul3A_0 = arith.muli %arg0, %mul3A : i32
    %add3A = arith.addi %mul3A_0, %arg1 : i32
    %mul3A_1 = arith.constant 10000 : i32
    %mul3A_2 = arith.muli %add3A, %mul3A_1 : i32
    %dma_start3A = arith.constant 1 : i32
    %dma_start3A_3 = arith.constant 0 : i32
    %dma_start3A_4 = arith.constant 0 : i32
    %dma_start3A_5 = arith.constant 0 : i32
    %dma_start3A_6 = tpu.memref_slice %arg3[%dma_start3A, %dma_start3A_3, %dma_start3A_4, %dma_start3A_5] : memref<2x32x125x80xi32, #tpu.memory_space<hbm>> -> memref<1x32x125x80xi32, #tpu.memory_space<hbm>>
    %dma_start3A_7 = tpu.memref_squeeze %dma_start3A_6 : memref<1x32x125x80xi32, #tpu.memory_space<hbm>> -> memref<32x125x80xi32, #tpu.memory_space<hbm>>
    %dma_start3A_8 = arith.constant 0 : i32
    %dma_start3A_9 = arith.constant 0 : i32
    %dma_start3A_10 = tpu.memref_slice %dma_start3A_7[%add3A, %dma_start3A_8, %dma_start3A_9] : memref<32x125x80xi32, #tpu.memory_space<hbm>> -> memref<1x125x80xi32, #tpu.memory_space<hbm>>
    %dma_start3A_11 = tpu.memref_squeeze %dma_start3A_10 : memref<1x125x80xi32, #tpu.memory_space<hbm>> -> memref<125x80xi32, #tpu.memory_space<hbm>>
    %dma_start3A_12 = arith.constant 0 : i32
    %dma_start3A_13 = arith.constant 0 : i32
    %dma_start3A_14 = arith.constant 0 : i32
    %dma_start3A_15 = tpu.memref_slice %arg3[%dma_start3A, %dma_start3A_12, %dma_start3A_13, %dma_start3A_14] : memref<2x32x125x80xi32, #tpu.memory_space<hbm>> -> memref<1x32x125x80xi32, #tpu.memory_space<hbm>>
    %dma_start3A_16 = tpu.memref_squeeze %dma_start3A_15 : memref<1x32x125x80xi32, #tpu.memory_space<hbm>> -> memref<32x125x80xi32, #tpu.memory_space<hbm>>
    %dma_start3A_17 = arith.constant 0 : i32
    %dma_start3A_18 = arith.constant 0 : i32
    %dma_start3A_19 = tpu.memref_slice %dma_start3A_16[%add3A, %dma_start3A_17, %dma_start3A_18] : memref<32x125x80xi32, #tpu.memory_space<hbm>> -> memref<1x125x80xi32, #tpu.memory_space<hbm>>
    %dma_start3A_20 = tpu.memref_squeeze %dma_start3A_19 : memref<1x125x80xi32, #tpu.memory_space<hbm>> -> memref<125x80xi32, #tpu.memory_space<hbm>>
    tpu.enqueue_dma source(%dma_start3A_20 : memref<125x80xi32, #tpu.memory_space<hbm>>) target(%arg5 : memref<125x80xi32, #tpu.memory_space<vmem>>) target_semaphore(%arg14 : memref<!tpu.dma_semaphore, #tpu.memory_space<semaphore_mem>>)
    %add3A_21 = arith.constant 0 : i32
    %add3A_22 = arith.addi %mul3A_2, %add3A_21 : i32
    %dma_start3A_23 = arith.constant 0 : i32
    %dma_start3A_24 = arith.constant 0 : i32
    %dma_start3A_25 = arith.constant 0 : i32
    %dma_start3A_26 = tpu.memref_slice %arg6[%dma_start3A_23, %dma_start3A_24, %dma_start3A_25] : memref<3x80x128xf32, #tpu.memory_space<vmem>> -> memref<1x80x128xf32, #tpu.memory_space<vmem>>
    %dma_start3A_27 = tpu.memref_squeeze %dma_start3A_26 : memref<1x80x128xf32, #tpu.memory_space<vmem>> -> memref<80x128xf32, #tpu.memory_space<vmem>>
    %dma_start3A_28 = arith.constant 0 : i32
    %dma_start3A_29 = tpu.memref_slice %arg2[%add3A_22, %dma_start3A_28] : memref<320000x128xf32, #tpu.memory_space<hbm>> -> memref<80x128xf32, #tpu.memory_space<hbm>>
    %dma_start3A_30 = arith.constant 0 : i32
    %dma_start3A_31 = arith.constant 0 : i32
    %dma_start3A_32 = tpu.memref_slice %arg6[%dma_start3A_23, %dma_start3A_30, %dma_start3A_31] : memref<3x80x128xf32, #tpu.memory_space<vmem>> -> memref<1x80x128xf32, #tpu.memory_space<vmem>>
    %dma_start3A_33 = tpu.memref_squeeze %dma_start3A_32 : memref<1x80x128xf32, #tpu.memory_space<vmem>> -> memref<80x128xf32, #tpu.memory_space<vmem>>
    %dma_start3A_34 = arith.constant 0 : i32
    %dma_start3A_35 = tpu.memref_slice %arg2[%add3A_22, %dma_start3A_34] : memref<320000x128xf32, #tpu.memory_space<hbm>> -> memref<80x128xf32, #tpu.memory_space<hbm>>
    tpu.enqueue_dma source(%dma_start3A_35 : memref<80x128xf32, #tpu.memory_space<hbm>>) target(%dma_start3A_33 : memref<80x128xf32, #tpu.memory_space<vmem>>) target_semaphore(%arg8 : memref<!tpu.dma_semaphore, #tpu.memory_space<semaphore_mem>>)
    %add3A_36 = arith.constant 80 : i32
    %add3A_37 = arith.addi %mul3A_2, %add3A_36 : i32
    %dma_start3A_38 = arith.constant 1 : i32
    %dma_start3A_39 = arith.constant 0 : i32
    %dma_start3A_40 = arith.constant 0 : i32
    %dma_start3A_41 = tpu.memref_slice %arg6[%dma_start3A_38, %dma_start3A_39, %dma_start3A_40] : memref<3x80x128xf32, #tpu.memory_space<vmem>> -> memref<1x80x128xf32, #tpu.memory_space<vmem>>
    %dma_start3A_42 = tpu.memref_squeeze %dma_start3A_41 : memref<1x80x128xf32, #tpu.memory_space<vmem>> -> memref<80x128xf32, #tpu.memory_space<vmem>>
    %dma_start3A_43 = arith.constant 0 : i32
    %dma_start3A_44 = tpu.memref_slice %arg2[%add3A_37, %dma_start3A_43] : memref<320000x128xf32, #tpu.memory_space<hbm>> -> memref<80x128xf32, #tpu.memory_space<hbm>>
    %dma_start3A_45 = arith.constant 0 : i32
    %dma_start3A_46 = arith.constant 0 : i32
    %dma_start3A_47 = tpu.memref_slice %arg6[%dma_start3A_38, %dma_start3A_45, %dma_start3A_46] : memref<3x80x128xf32, #tpu.memory_space<vmem>> -> memref<1x80x128xf32, #tpu.memory_space<vmem>>
    %dma_start3A_48 = tpu.memref_squeeze %dma_start3A_47 : memref<1x80x128xf32, #tpu.memory_space<vmem>> -> memref<80x128xf32, #tpu.memory_space<vmem>>
    %dma_start3A_49 = arith.constant 0 : i32
    %dma_start3A_50 = tpu.memref_slice %arg2[%add3A_37, %dma_start3A_49] : memref<320000x128xf32, #tpu.memory_space<hbm>> -> memref<80x128xf32, #tpu.memory_space<hbm>>
    tpu.enqueue_dma source(%dma_start3A_50 : memref<80x128xf32, #tpu.memory_space<hbm>>) target(%dma_start3A_48 : memref<80x128xf32, #tpu.memory_space<vmem>>) target_semaphore(%arg9 : memref<!tpu.dma_semaphore, #tpu.memory_space<semaphore_mem>>)
    %scan3A = arith.constant 0 : i32
    %scan3A_51 = arith.constant 0 : i32
    %scan3A_52 = arith.constant 640 : i32
    %scan3A_53 = arith.addi %scan3A_51, %scan3A_52 : i32
    %scan3A_54 = arith.constant 1 : i32
    %scan3A_55 = scf.for %scan3A_574 = %scan3A_51 to %scan3A_53 step %scan3A_54 iter_args(%scan3A_575 = %scan3A) -> (i32)  : i32 {
      %jit3A = arith.constant 8 : i32
      %div3A = arith.divsi %scan3A_574, %jit3A : i32
      %sign3A = arith.constant 0 : i32
      %sign3A_576 = arith.cmpi sgt, %scan3A_574, %sign3A : i32
      %sign3A_577 = arith.extui %sign3A_576 : i1 to i32
      %sign3A_578 = arith.constant 0 : i32
      %sign3A_579 = arith.cmpi slt, %scan3A_574, %sign3A_578 : i32
      %sign3A_580 = arith.extui %sign3A_579 : i1 to i32
      %sign3A_581 = arith.subi %sign3A_577, %sign3A_580 : i32
      %sign3A_582 = arith.constant 0 : i32
      %sign3A_583 = arith.cmpi sgt, %jit3A, %sign3A_582 : i32
      %sign3A_584 = arith.extui %sign3A_583 : i1 to i32
      %sign3A_585 = arith.constant 0 : i32
      %sign3A_586 = arith.cmpi slt, %jit3A, %sign3A_585 : i32
      %sign3A_587 = arith.extui %sign3A_586 : i1 to i32
      %sign3A_588 = arith.subi %sign3A_584, %sign3A_587 : i32
      %ne3A = arith.cmpi ne, %sign3A_581, %sign3A_588 : i32
      %rem3A = arith.remsi %scan3A_574, %jit3A : i32
      %ne3A_589 = arith.constant 0 : i32
      %ne3A_590 = arith.cmpi ne, %rem3A, %ne3A_589 : i32
      %and3A = arith.andi %ne3A, %ne3A_590 : i1
      %sub3A = arith.constant 1 : i32
      %sub3A_591 = arith.subi %div3A, %sub3A : i32
      %select_n3A = arith.select %and3A, %sub3A_591, %div3A : i32
      %jit3A_592 = arith.constant 8 : i32
      %eq3A = arith.constant 0 : i32
      %eq3A_593 = arith.cmpi eq, %jit3A_592, %eq3A : i32
      %jit3A_594 = arith.constant 1 : i32
      %select_n3A_595 = arith.select %eq3A_593, %jit3A_594, %jit3A_592 : i32
      %rem3A_596 = arith.remsi %scan3A_574, %select_n3A_595 : i32
      %ne3A_597 = arith.constant 0 : i32
      %ne3A_598 = arith.cmpi ne, %rem3A_596, %ne3A_597 : i32
      %lt3A = arith.constant 0 : i32
      %lt3A_599 = arith.cmpi slt, %rem3A_596, %lt3A : i32
      %lt3A_600 = arith.constant 0 : i32
      %lt3A_601 = arith.cmpi slt, %select_n3A_595, %lt3A_600 : i32
      %ne3A_602 = arith.xori %lt3A_599, %lt3A_601 : i1
      %and3A_603 = arith.andi %ne3A_602, %ne3A_598 : i1
      %add3A_604 = arith.addi %rem3A_596, %select_n3A_595 : i32
      %select_n3A_605 = arith.select %and3A_603, %add3A_604, %rem3A_596 : i32
      %broadcast_in_dim3A = arith.constant 0.000000e+00 : f32
      %broadcast_in_dim3A_606 = vector.broadcast %broadcast_in_dim3A : f32 to vector<16xf32>
      %mul3A_607 = arith.constant 16 : i32
      %mul3A_608 = arith.muli %select_n3A_605, %mul3A_607 : i32
      %swap3A = arith.constant 2 : i32
      %swap3A_609 = arith.index_cast %swap3A : i32 to index
      %swap3A_610 = arith.index_cast %select_n3A : i32 to index
      %swap3A_611 = arith.index_cast %mul3A_608 : i32 to index
      %swap3A_612 = tpu.vector_load %arg6[%swap3A_609, %swap3A_610, %swap3A_611] {strides = array<i32>} : memref<3x80x128xf32, #tpu.memory_space<vmem>>, vector<1x1x16xf32>,
      %swap3A_613 = vector.shape_cast %swap3A_612 : vector<1x1x16xf32> to vector<16xf32>
      %swap3A_614 = vector.shape_cast %broadcast_in_dim3A_606 : vector<16xf32> to vector<1x1x16xf32>
      tpu.vector_store %arg6[%swap3A_609, %swap3A_610, %swap3A_611], %swap3A_614 {strides = array<i32>} : memref<3x80x128xf32, #tpu.memory_space<vmem>>, vector<1x1x16xf32>,
      %scan3A_615 = arith.constant 0 : i32
      scf.yield %scan3A_615 : i32
    }
    %scan3A_56 = arith.constant 640 : i32
    %mul3A_57 = arith.constant 640 : i32
    %mul3A_58 = arith.muli %arg1, %mul3A_57 : i32
    %add3A_59 = arith.constant 0 : i32
    %add3A_60 = arith.addi %mul3A_58, %add3A_59 : i32
    %run_scoped3A = arith.constant 2 : i32
    "tpu.region"() ({
      %run_scoped3A_574 = tpu.sem_alloc : memref<!tpu.dma_semaphore, #tpu.memory_space<semaphore_mem>>
      %dma_start3A_575 = arith.constant 0 : i32
      %dma_start3A_576 = arith.constant 0 : i32
      %dma_start3A_577 = tpu.memref_slice %arg6[%run_scoped3A, %dma_start3A_575, %dma_start3A_576] : memref<3x80x128xf32, #tpu.memory_space<vmem>> -> memref<1x80x128xf32, #tpu.memory_space<vmem>>
      %dma_start3A_578 = tpu.memref_squeeze %dma_start3A_577 : memref<1x80x128xf32, #tpu.memory_space<vmem>> -> memref<80x128xf32, #tpu.memory_space<vmem>>
      %dma_start3A_579 = arith.constant 0 : i32
      %dma_start3A_580 = tpu.memref_slice %arg7[%add3A_60, %dma_start3A_579] : memref<10240x128xf32, #tpu.memory_space<vmem_shared>> -> memref<80x128xf32, #tpu.memory_space<vmem_shared>>
      %dma_start3A_581 = arith.constant 0 : i32
      %dma_start3A_582 = tpu.memref_slice %arg7[%add3A_60, %dma_start3A_581] : memref<10240x128xf32, #tpu.memory_space<vmem_shared>> -> memref<80x128xf32, #tpu.memory_space<vmem_shared>>
      %dma_start3A_583 = arith.constant 0 : i32
      %dma_start3A_584 = arith.constant 0 : i32
      %dma_start3A_585 = tpu.memref_slice %arg6[%run_scoped3A, %dma_start3A_583, %dma_start3A_584] : memref<3x80x128xf32, #tpu.memory_space<vmem>> -> memref<1x80x128xf32, #tpu.memory_space<vmem>>
      %dma_start3A_586 = tpu.memref_squeeze %dma_start3A_585 : memref<1x80x128xf32, #tpu.memory_space<vmem>> -> memref<80x128xf32, #tpu.memory_space<vmem>>
      tpu.enqueue_dma source(%dma_start3A_586 : memref<80x128xf32, #tpu.memory_space<vmem>>) target(%dma_start3A_582 : memref<80x128xf32, #tpu.memory_space<vmem_shared>>) target_semaphore(%run_scoped3A_574 : memref<!tpu.dma_semaphore, #tpu.memory_space<semaphore_mem>>)
      %dma_wait3A_587 = arith.constant 0 : i32
      %dma_wait3A_588 = arith.constant 0 : i32
      %dma_wait3A_589 = tpu.memref_slice %arg6[%run_scoped3A, %dma_wait3A_587, %dma_wait3A_588] : memref<3x80x128xf32, #tpu.memory_space<vmem>> -> memref<1x80x128xf32, #tpu.memory_space<vmem>>
      %dma_wait3A_590 = tpu.memref_squeeze %dma_wait3A_589 : memref<1x80x128xf32, #tpu.memory_space<vmem>> -> memref<80x128xf32, #tpu.memory_space<vmem>>
      %dma_wait3A_591 = arith.constant 0 : i32
      %dma_wait3A_592 = tpu.memref_slice %arg7[%add3A_60, %dma_wait3A_591] : memref<10240x128xf32, #tpu.memory_space<vmem_shared>> -> memref<80x128xf32, #tpu.memory_space<vmem_shared>>
      %dma_wait3A_593 = arith.constant 0 : i32
      %dma_wait3A_594 = tpu.memref_slice %arg7[%add3A_60, %dma_wait3A_593] : memref<10240x128xf32, #tpu.memory_space<vmem_shared>> -> memref<80x128xf32, #tpu.memory_space<vmem_shared>>
      %dma_wait3A_595 = arith.constant 0 : i32
      %dma_wait3A_596 = arith.constant 0 : i32
      %dma_wait3A_597 = tpu.memref_slice %arg6[%run_scoped3A, %dma_wait3A_595, %dma_wait3A_596] : memref<3x80x128xf32, #tpu.memory_space<vmem>> -> memref<1x80x128xf32, #tpu.memory_space<vmem>>
      %dma_wait3A_598 = tpu.memref_squeeze %dma_wait3A_597 : memref<1x80x128xf32, #tpu.memory_space<vmem>> -> memref<80x128xf32, #tpu.memory_space<vmem>>
      tpu.wait_dma2 semaphore(%run_scoped3A_574 : memref<!tpu.dma_semaphore, #tpu.memory_space<semaphore_mem>>) src(%dma_wait3A_598 : memref<80x128xf32, #tpu.memory_space<vmem>>) dst(%dma_wait3A_594 : memref<80x128xf32, #tpu.memory_space<vmem_shared>>)
      tpu.yield
    }) : () -> ()
    %add3A_61 = arith.constant 80 : i32
    %add3A_62 = arith.addi %mul3A_58, %add3A_61 : i32
    %run_scoped3A_63 = arith.constant 2 : i32
    "tpu.region"() ({
      %run_scoped3A_574 = tpu.sem_alloc : memref<!tpu.dma_semaphore, #tpu.memory_space<semaphore_mem>>
      %dma_start3A_575 = arith.constant 0 : i32
      %dma_start3A_576 = arith.constant 0 : i32
      %dma_start3A_577 = tpu.memref_slice %arg6[%run_scoped3A_63, %dma_start3A_575, %dma_start3A_576] : memref<3x80x128xf32, #tpu.memory_space<vmem>> -> memref<1x80x128xf32, #tpu.memory_space<vmem>>
      %dma_start3A_578 = tpu.memref_squeeze %dma_start3A_577 : memref<1x80x128xf32, #tpu.memory_space<vmem>> -> memref<80x128xf32, #tpu.memory_space<vmem>>
      %dma_start3A_579 = arith.constant 0 : i32
      %dma_start3A_580 = tpu.memref_slice %arg7[%add3A_62, %dma_start3A_579] : memref<10240x128xf32, #tpu.memory_space<vmem_shared>> -> memref<80x128xf32, #tpu.memory_space<vmem_shared>>
      %dma_start3A_581 = arith.constant 0 : i32
      %dma_start3A_582 = tpu.memref_slice %arg7[%add3A_62, %dma_start3A_581] : memref<10240x128xf32, #tpu.memory_space<vmem_shared>> -> memref<80x128xf32, #tpu.memory_space<vmem_shared>>
      %dma_start3A_583 = arith.constant 0 : i32
      %dma_start3A_584 = arith.constant 0 : i32
      %dma_start3A_585 = tpu.memref_slice %arg6[%run_scoped3A_63, %dma_start3A_583, %dma_start3A_584] : memref<3x80x128xf32, #tpu.memory_space<vmem>> -> memref<1x80x128xf32, #tpu.memory_space<vmem>>
      %dma_start3A_586 = tpu.memref_squeeze %dma_start3A_585 : memref<1x80x128xf32, #tpu.memory_space<vmem>> -> memref<80x128xf32, #tpu.memory_space<vmem>>
      tpu.enqueue_dma source(%dma_start3A_586 : memref<80x128xf32, #tpu.memory_space<vmem>>) target(%dma_start3A_582 : memref<80x128xf32, #tpu.memory_space<vmem_shared>>) target_semaphore(%run_scoped3A_574 : memref<!tpu.dma_semaphore, #tpu.memory_space<semaphore_mem>>)
      %dma_wait3A_587 = arith.constant 0 : i32
      %dma_wait3A_588 = arith.constant 0 : i32
      %dma_wait3A_589 = tpu.memref_slice %arg6[%run_scoped3A_63, %dma_wait3A_587, %dma_wait3A_588] : memref<3x80x128xf32, #tpu.memory_space<vmem>> -> memref<1x80x128xf32, #tpu.memory_space<vmem>>
      %dma_wait3A_590 = tpu.memref_squeeze %dma_wait3A_589 : memref<1x80x128xf32, #tpu.memory_space<vmem>> -> memref<80x128xf32, #tpu.memory_space<vmem>>
      %dma_wait3A_591 = arith.constant 0 : i32
      %dma_wait3A_592 = tpu.memref_slice %arg7[%add3A_62, %dma_wait3A_591] : memref<10240x128xf32, #tpu.memory_space<vmem_shared>> -> memref<80x128xf32, #tpu.memory_space<vmem_shared>>
      %dma_wait3A_593 = arith.constant 0 : i32
      %dma_wait3A_594 = tpu.memref_slice %arg7[%add3A_62, %dma_wait3A_593] : memref<10240x128xf32, #tpu.memory_space<vmem_shared>> -> memref<80x128xf32, #tpu.memory_space<vmem_shared>>
      %dma_wait3A_595 = arith.constant 0 : i32
      %dma_wait3A_596 = arith.constant 0 : i32
      %dma_wait3A_597 = tpu.memref_slice %arg6[%run_scoped3A_63, %dma_wait3A_595, %dma_wait3A_596] : memref<3x80x128xf32, #tpu.memory_space<vmem>> -> memref<1x80x128xf32, #tpu.memory_space<vmem>>
      %dma_wait3A_598 = tpu.memref_squeeze %dma_wait3A_597 : memref<1x80x128xf32, #tpu.memory_space<vmem>> -> memref<80x128xf32, #tpu.memory_space<vmem>>
      tpu.wait_dma2 semaphore(%run_scoped3A_574 : memref<!tpu.dma_semaphore, #tpu.memory_space<semaphore_mem>>) src(%dma_wait3A_598 : memref<80x128xf32, #tpu.memory_space<vmem>>) dst(%dma_wait3A_594 : memref<80x128xf32, #tpu.memory_space<vmem_shared>>)
      tpu.yield
    }) : () -> ()
    %add3A_64 = arith.constant 160 : i32
    %add3A_65 = arith.addi %mul3A_58, %add3A_64 : i32
    %run_scoped3A_66 = arith.constant 2 : i32
    "tpu.region"() ({
      %run_scoped3A_574 = tpu.sem_alloc : memref<!tpu.dma_semaphore, #tpu.memory_space<semaphore_mem>>
      %dma_start3A_575 = arith.constant 0 : i32
      %dma_start3A_576 = arith.constant 0 : i32
      %dma_start3A_577 = tpu.memref_slice %arg6[%run_scoped3A_66, %dma_start3A_575, %dma_start3A_576] : memref<3x80x128xf32, #tpu.memory_space<vmem>> -> memref<1x80x128xf32, #tpu.memory_space<vmem>>
      %dma_start3A_578 = tpu.memref_squeeze %dma_start3A_577 : memref<1x80x128xf32, #tpu.memory_space<vmem>> -> memref<80x128xf32, #tpu.memory_space<vmem>>
      %dma_start3A_579 = arith.constant 0 : i32
      %dma_start3A_580 = tpu.memref_slice %arg7[%add3A_65, %dma_start3A_579] : memref<10240x128xf32, #tpu.memory_space<vmem_shared>> -> memref<80x128xf32, #tpu.memory_space<vmem_shared>>
      %dma_start3A_581 = arith.constant 0 : i32
      %dma_start3A_582 = tpu.memref_slice %arg7[%add3A_65, %dma_start3A_581] : memref<10240x128xf32, #tpu.memory_space<vmem_shared>> -> memref<80x128xf32, #tpu.memory_space<vmem_shared>>
      %dma_start3A_583 = arith.constant 0 : i32
      %dma_start3A_584 = arith.constant 0 : i32
      %dma_start3A_585 = tpu.memref_slice %arg6[%run_scoped3A_66, %dma_start3A_583, %dma_start3A_584] : memref<3x80x128xf32, #tpu.memory_space<vmem>> -> memref<1x80x128xf32, #tpu.memory_space<vmem>>
      %dma_start3A_586 = tpu.memref_squeeze %dma_start3A_585 : memref<1x80x128xf32, #tpu.memory_space<vmem>> -> memref<80x128xf32, #tpu.memory_space<vmem>>
      tpu.enqueue_dma source(%dma_start3A_586 : memref<80x128xf32, #tpu.memory_space<vmem>>) target(%dma_start3A_582 : memref<80x128xf32, #tpu.memory_space<vmem_shared>>) target_semaphore(%run_scoped3A_574 : memref<!tpu.dma_semaphore, #tpu.memory_space<semaphore_mem>>)
      %dma_wait3A_587 = arith.constant 0 : i32
      %dma_wait3A_588 = arith.constant 0 : i32
      %dma_wait3A_589 = tpu.memref_slice %arg6[%run_scoped3A_66, %dma_wait3A_587, %dma_wait3A_588] : memref<3x80x128xf32, #tpu.memory_space<vmem>> -> memref<1x80x128xf32, #tpu.memory_space<vmem>>
      %dma_wait3A_590 = tpu.memref_squeeze %dma_wait3A_589 : memref<1x80x128xf32, #tpu.memory_space<vmem>> -> memref<80x128xf32, #tpu.memory_space<vmem>>
      %dma_wait3A_591 = arith.constant 0 : i32
      %dma_wait3A_592 = tpu.memref_slice %arg7[%add3A_65, %dma_wait3A_591] : memref<10240x128xf32, #tpu.memory_space<vmem_shared>> -> memref<80x128xf32, #tpu.memory_space<vmem_shared>>
      %dma_wait3A_593 = arith.constant 0 : i32
      %dma_wait3A_594 = tpu.memref_slice %arg7[%add3A_65, %dma_wait3A_593] : memref<10240x128xf32, #tpu.memory_space<vmem_shared>> -> memref<80x128xf32, #tpu.memory_space<vmem_shared>>
      %dma_wait3A_595 = arith.constant 0 : i32
      %dma_wait3A_596 = arith.constant 0 : i32
      %dma_wait3A_597 = tpu.memref_slice %arg6[%run_scoped3A_66, %dma_wait3A_595, %dma_wait3A_596] : memref<3x80x128xf32, #tpu.memory_space<vmem>> -> memref<1x80x128xf32, #tpu.memory_space<vmem>>
      %dma_wait3A_598 = tpu.memref_squeeze %dma_wait3A_597 : memref<1x80x128xf32, #tpu.memory_space<vmem>> -> memref<80x128xf32, #tpu.memory_space<vmem>>
      tpu.wait_dma2 semaphore(%run_scoped3A_574 : memref<!tpu.dma_semaphore, #tpu.memory_space<semaphore_mem>>) src(%dma_wait3A_598 : memref<80x128xf32, #tpu.memory_space<vmem>>) dst(%dma_wait3A_594 : memref<80x128xf32, #tpu.memory_space<vmem_shared>>)
      tpu.yield
    }) : () -> ()
    %add3A_67 = arith.constant 240 : i32
    %add3A_68 = arith.addi %mul3A_58, %add3A_67 : i32
    %run_scoped3A_69 = arith.constant 2 : i32
    "tpu.region"() ({
      %run_scoped3A_574 = tpu.sem_alloc : memref<!tpu.dma_semaphore, #tpu.memory_space<semaphore_mem>>
      %dma_start3A_575 = arith.constant 0 : i32
      %dma_start3A_576 = arith.constant 0 : i32
      %dma_start3A_577 = tpu.memref_slice %arg6[%run_scoped3A_69, %dma_start3A_575, %dma_start3A_576] : memref<3x80x128xf32, #tpu.memory_space<vmem>> -> memref<1x80x128xf32, #tpu.memory_space<vmem>>
      %dma_start3A_578 = tpu.memref_squeeze %dma_start3A_577 : memref<1x80x128xf32, #tpu.memory_space<vmem>> -> memref<80x128xf32, #tpu.memory_space<vmem>>
      %dma_start3A_579 = arith.constant 0 : i32
      %dma_start3A_580 = tpu.memref_slice %arg7[%add3A_68, %dma_start3A_579] : memref<10240x128xf32, #tpu.memory_space<vmem_shared>> -> memref<80x128xf32, #tpu.memory_space<vmem_shared>>
      %dma_start3A_581 = arith.constant 0 : i32
      %dma_start3A_582 = tpu.memref_slice %arg7[%add3A_68, %dma_start3A_581] : memref<10240x128xf32, #tpu.memory_space<vmem_shared>> -> memref<80x128xf32, #tpu.memory_space<vmem_shared>>
      %dma_start3A_583 = arith.constant 0 : i32
      %dma_start3A_584 = arith.constant 0 : i32
      %dma_start3A_585 = tpu.memref_slice %arg6[%run_scoped3A_69, %dma_start3A_583, %dma_start3A_584] : memref<3x80x128xf32, #tpu.memory_space<vmem>> -> memref<1x80x128xf32, #tpu.memory_space<vmem>>
      %dma_start3A_586 = tpu.memref_squeeze %dma_start3A_585 : memref<1x80x128xf32, #tpu.memory_space<vmem>> -> memref<80x128xf32, #tpu.memory_space<vmem>>
      tpu.enqueue_dma source(%dma_start3A_586 : memref<80x128xf32, #tpu.memory_space<vmem>>) target(%dma_start3A_582 : memref<80x128xf32, #tpu.memory_space<vmem_shared>>) target_semaphore(%run_scoped3A_574 : memref<!tpu.dma_semaphore, #tpu.memory_space<semaphore_mem>>)
      %dma_wait3A_587 = arith.constant 0 : i32
      %dma_wait3A_588 = arith.constant 0 : i32
      %dma_wait3A_589 = tpu.memref_slice %arg6[%run_scoped3A_69, %dma_wait3A_587, %dma_wait3A_588] : memref<3x80x128xf32, #tpu.memory_space<vmem>> -> memref<1x80x128xf32, #tpu.memory_space<vmem>>
      %dma_wait3A_590 = tpu.memref_squeeze %dma_wait3A_589 : memref<1x80x128xf32, #tpu.memory_space<vmem>> -> memref<80x128xf32, #tpu.memory_space<vmem>>
      %dma_wait3A_591 = arith.constant 0 : i32
      %dma_wait3A_592 = tpu.memref_slice %arg7[%add3A_68, %dma_wait3A_591] : memref<10240x128xf32, #tpu.memory_space<vmem_shared>> -> memref<80x128xf32, #tpu.memory_space<vmem_shared>>
      %dma_wait3A_593 = arith.constant 0 : i32
      %dma_wait3A_594 = tpu.memref_slice %arg7[%add3A_68, %dma_wait3A_593] : memref<10240x128xf32, #tpu.memory_space<vmem_shared>> -> memref<80x128xf32, #tpu.memory_space<vmem_shared>>
      %dma_wait3A_595 = arith.constant 0 : i32
      %dma_wait3A_596 = arith.constant 0 : i32
      %dma_wait3A_597 = tpu.memref_slice %arg6[%run_scoped3A_69, %dma_wait3A_595, %dma_wait3A_596] : memref<3x80x128xf32, #tpu.memory_space<vmem>> -> memref<1x80x128xf32, #tpu.memory_space<vmem>>
      %dma_wait3A_598 = tpu.memref_squeeze %dma_wait3A_597 : memref<1x80x128xf32, #tpu.memory_space<vmem>> -> memref<80x128xf32, #tpu.memory_space<vmem>>
      tpu.wait_dma2 semaphore(%run_scoped3A_574 : memref<!tpu.dma_semaphore, #tpu.memory_space<semaphore_mem>>) src(%dma_wait3A_598 : memref<80x128xf32, #tpu.memory_space<vmem>>) dst(%dma_wait3A_594 : memref<80x128xf32, #tpu.memory_space<vmem_shared>>)
      tpu.yield
    }) : () -> ()
    %add3A_70 = arith.constant 320 : i32
    %add3A_71 = arith.addi %mul3A_58, %add3A_70 : i32
    %run_scoped3A_72 = arith.constant 2 : i32
    "tpu.region"() ({
      %run_scoped3A_574 = tpu.sem_alloc : memref<!tpu.dma_semaphore, #tpu.memory_space<semaphore_mem>>
      %dma_start3A_575 = arith.constant 0 : i32
      %dma_start3A_576 = arith.constant 0 : i32
      %dma_start3A_577 = tpu.memref_slice %arg6[%run_scoped3A_72, %dma_start3A_575, %dma_start3A_576] : memref<3x80x128xf32, #tpu.memory_space<vmem>> -> memref<1x80x128xf32, #tpu.memory_space<vmem>>
      %dma_start3A_578 = tpu.memref_squeeze %dma_start3A_577 : memref<1x80x128xf32, #tpu.memory_space<vmem>> -> memref<80x128xf32, #tpu.memory_space<vmem>>
      %dma_start3A_579 = arith.constant 0 : i32
      %dma_start3A_580 = tpu.memref_slice %arg7[%add3A_71, %dma_start3A_579] : memref<10240x128xf32, #tpu.memory_space<vmem_shared>> -> memref<80x128xf32, #tpu.memory_space<vmem_shared>>
      %dma_start3A_581 = arith.constant 0 : i32
      %dma_start3A_582 = tpu.memref_slice %arg7[%add3A_71, %dma_start3A_581] : memref<10240x128xf32, #tpu.memory_space<vmem_shared>> -> memref<80x128xf32, #tpu.memory_space<vmem_shared>>
      %dma_start3A_583 = arith.constant 0 : i32
      %dma_start3A_584 = arith.constant 0 : i32
      %dma_start3A_585 = tpu.memref_slice %arg6[%run_scoped3A_72, %dma_start3A_583, %dma_start3A_584] : memref<3x80x128xf32, #tpu.memory_space<vmem>> -> memref<1x80x128xf32, #tpu.memory_space<vmem>>
      %dma_start3A_586 = tpu.memref_squeeze %dma_start3A_585 : memref<1x80x128xf32, #tpu.memory_space<vmem>> -> memref<80x128xf32, #tpu.memory_space<vmem>>
      tpu.enqueue_dma source(%dma_start3A_586 : memref<80x128xf32, #tpu.memory_space<vmem>>) target(%dma_start3A_582 : memref<80x128xf32, #tpu.memory_space<vmem_shared>>) target_semaphore(%run_scoped3A_574 : memref<!tpu.dma_semaphore, #tpu.memory_space<semaphore_mem>>)
      %dma_wait3A_587 = arith.constant 0 : i32
      %dma_wait3A_588 = arith.constant 0 : i32
      %dma_wait3A_589 = tpu.memref_slice %arg6[%run_scoped3A_72, %dma_wait3A_587, %dma_wait3A_588] : memref<3x80x128xf32, #tpu.memory_space<vmem>> -> memref<1x80x128xf32, #tpu.memory_space<vmem>>
      %dma_wait3A_590 = tpu.memref_squeeze %dma_wait3A_589 : memref<1x80x128xf32, #tpu.memory_space<vmem>> -> memref<80x128xf32, #tpu.memory_space<vmem>>
      %dma_wait3A_591 = arith.constant 0 : i32
      %dma_wait3A_592 = tpu.memref_slice %arg7[%add3A_71, %dma_wait3A_591] : memref<10240x128xf32, #tpu.memory_space<vmem_shared>> -> memref<80x128xf32, #tpu.memory_space<vmem_shared>>
      %dma_wait3A_593 = arith.constant 0 : i32
      %dma_wait3A_594 = tpu.memref_slice %arg7[%add3A_71, %dma_wait3A_593] : memref<10240x128xf32, #tpu.memory_space<vmem_shared>> -> memref<80x128xf32, #tpu.memory_space<vmem_shared>>
      %dma_wait3A_595 = arith.constant 0 : i32
      %dma_wait3A_596 = arith.constant 0 : i32
      %dma_wait3A_597 = tpu.memref_slice %arg6[%run_scoped3A_72, %dma_wait3A_595, %dma_wait3A_596] : memref<3x80x128xf32, #tpu.memory_space<vmem>> -> memref<1x80x128xf32, #tpu.memory_space<vmem>>
      %dma_wait3A_598 = tpu.memref_squeeze %dma_wait3A_597 : memref<1x80x128xf32, #tpu.memory_space<vmem>> -> memref<80x128xf32, #tpu.memory_space<vmem>>
      tpu.wait_dma2 semaphore(%run_scoped3A_574 : memref<!tpu.dma_semaphore, #tpu.memory_space<semaphore_mem>>) src(%dma_wait3A_598 : memref<80x128xf32, #tpu.memory_space<vmem>>) dst(%dma_wait3A_594 : memref<80x128xf32, #tpu.memory_space<vmem_shared>>)
      tpu.yield
    }) : () -> ()
    %add3A_73 = arith.constant 400 : i32
    %add3A_74 = arith.addi %mul3A_58, %add3A_73 : i32
    %run_scoped3A_75 = arith.constant 2 : i32
    "tpu.region"() ({
      %run_scoped3A_574 = tpu.sem_alloc : memref<!tpu.dma_semaphore, #tpu.memory_space<semaphore_mem>>
      %dma_start3A_575 = arith.constant 0 : i32
      %dma_start3A_576 = arith.constant 0 : i32
      %dma_start3A_577 = tpu.memref_slice %arg6[%run_scoped3A_75, %dma_start3A_575, %dma_start3A_576] : memref<3x80x128xf32, #tpu.memory_space<vmem>> -> memref<1x80x128xf32, #tpu.memory_space<vmem>>
      %dma_start3A_578 = tpu.memref_squeeze %dma_start3A_577 : memref<1x80x128xf32, #tpu.memory_space<vmem>> -> memref<80x128xf32, #tpu.memory_space<vmem>>
      %dma_start3A_579 = arith.constant 0 : i32
      %dma_start3A_580 = tpu.memref_slice %arg7[%add3A_74, %dma_start3A_579] : memref<10240x128xf32, #tpu.memory_space<vmem_shared>> -> memref<80x128xf32, #tpu.memory_space<vmem_shared>>
      %dma_start3A_581 = arith.constant 0 : i32
      %dma_start3A_582 = tpu.memref_slice %arg7[%add3A_74, %dma_start3A_581] : memref<10240x128xf32, #tpu.memory_space<vmem_shared>> -> memref<80x128xf32, #tpu.memory_space<vmem_shared>>
      %dma_start3A_583 = arith.constant 0 : i32
      %dma_start3A_584 = arith.constant 0 : i32
      %dma_start3A_585 = tpu.memref_slice %arg6[%run_scoped3A_75, %dma_start3A_583, %dma_start3A_584] : memref<3x80x128xf32, #tpu.memory_space<vmem>> -> memref<1x80x128xf32, #tpu.memory_space<vmem>>
      %dma_start3A_586 = tpu.memref_squeeze %dma_start3A_585 : memref<1x80x128xf32, #tpu.memory_space<vmem>> -> memref<80x128xf32, #tpu.memory_space<vmem>>
      tpu.enqueue_dma source(%dma_start3A_586 : memref<80x128xf32, #tpu.memory_space<vmem>>) target(%dma_start3A_582 : memref<80x128xf32, #tpu.memory_space<vmem_shared>>) target_semaphore(%run_scoped3A_574 : memref<!tpu.dma_semaphore, #tpu.memory_space<semaphore_mem>>)
      %dma_wait3A_587 = arith.constant 0 : i32
      %dma_wait3A_588 = arith.constant 0 : i32
      %dma_wait3A_589 = tpu.memref_slice %arg6[%run_scoped3A_75, %dma_wait3A_587, %dma_wait3A_588] : memref<3x80x128xf32, #tpu.memory_space<vmem>> -> memref<1x80x128xf32, #tpu.memory_space<vmem>>
      %dma_wait3A_590 = tpu.memref_squeeze %dma_wait3A_589 : memref<1x80x128xf32, #tpu.memory_space<vmem>> -> memref<80x128xf32, #tpu.memory_space<vmem>>
      %dma_wait3A_591 = arith.constant 0 : i32
      %dma_wait3A_592 = tpu.memref_slice %arg7[%add3A_74, %dma_wait3A_591] : memref<10240x128xf32, #tpu.memory_space<vmem_shared>> -> memref<80x128xf32, #tpu.memory_space<vmem_shared>>
      %dma_wait3A_593 = arith.constant 0 : i32
      %dma_wait3A_594 = tpu.memref_slice %arg7[%add3A_74, %dma_wait3A_593] : memref<10240x128xf32, #tpu.memory_space<vmem_shared>> -> memref<80x128xf32, #tpu.memory_space<vmem_shared>>
      %dma_wait3A_595 = arith.constant 0 : i32
      %dma_wait3A_596 = arith.constant 0 : i32
      %dma_wait3A_597 = tpu.memref_slice %arg6[%run_scoped3A_75, %dma_wait3A_595, %dma_wait3A_596] : memref<3x80x128xf32, #tpu.memory_space<vmem>> -> memref<1x80x128xf32, #tpu.memory_space<vmem>>
      %dma_wait3A_598 = tpu.memref_squeeze %dma_wait3A_597 : memref<1x80x128xf32, #tpu.memory_space<vmem>> -> memref<80x128xf32, #tpu.memory_space<vmem>>
      tpu.wait_dma2 semaphore(%run_scoped3A_574 : memref<!tpu.dma_semaphore, #tpu.memory_space<semaphore_mem>>) src(%dma_wait3A_598 : memref<80x128xf32, #tpu.memory_space<vmem>>) dst(%dma_wait3A_594 : memref<80x128xf32, #tpu.memory_space<vmem_shared>>)
      tpu.yield
    }) : () -> ()
    %add3A_76 = arith.constant 480 : i32
    %add3A_77 = arith.addi %mul3A_58, %add3A_76 : i32
    %run_scoped3A_78 = arith.constant 2 : i32
    "tpu.region"() ({
      %run_scoped3A_574 = tpu.sem_alloc : memref<!tpu.dma_semaphore, #tpu.memory_space<semaphore_mem>>
      %dma_start3A_575 = arith.constant 0 : i32
      %dma_start3A_576 = arith.constant 0 : i32
      %dma_start3A_577 = tpu.memref_slice %arg6[%run_scoped3A_78, %dma_start3A_575, %dma_start3A_576] : memref<3x80x128xf32, #tpu.memory_space<vmem>> -> memref<1x80x128xf32, #tpu.memory_space<vmem>>
      %dma_start3A_578 = tpu.memref_squeeze %dma_start3A_577 : memref<1x80x128xf32, #tpu.memory_space<vmem>> -> memref<80x128xf32, #tpu.memory_space<vmem>>
      %dma_start3A_579 = arith.constant 0 : i32
      %dma_start3A_580 = tpu.memref_slice %arg7[%add3A_77, %dma_start3A_579] : memref<10240x128xf32, #tpu.memory_space<vmem_shared>> -> memref<80x128xf32, #tpu.memory_space<vmem_shared>>
      %dma_start3A_581 = arith.constant 0 : i32
      %dma_start3A_582 = tpu.memref_slice %arg7[%add3A_77, %dma_start3A_581] : memref<10240x128xf32, #tpu.memory_space<vmem_shared>> -> memref<80x128xf32, #tpu.memory_space<vmem_shared>>
      %dma_start3A_583 = arith.constant 0 : i32
      %dma_start3A_584 = arith.constant 0 : i32
      %dma_start3A_585 = tpu.memref_slice %arg6[%run_scoped3A_78, %dma_start3A_583, %dma_start3A_584] : memref<3x80x128xf32, #tpu.memory_space<vmem>> -> memref<1x80x128xf32, #tpu.memory_space<vmem>>
      %dma_start3A_586 = tpu.memref_squeeze %dma_start3A_585 : memref<1x80x128xf32, #tpu.memory_space<vmem>> -> memref<80x128xf32, #tpu.memory_space<vmem>>
      tpu.enqueue_dma source(%dma_start3A_586 : memref<80x128xf32, #tpu.memory_space<vmem>>) target(%dma_start3A_582 : memref<80x128xf32, #tpu.memory_space<vmem_shared>>) target_semaphore(%run_scoped3A_574 : memref<!tpu.dma_semaphore, #tpu.memory_space<semaphore_mem>>)
      %dma_wait3A_587 = arith.constant 0 : i32
      %dma_wait3A_588 = arith.constant 0 : i32
      %dma_wait3A_589 = tpu.memref_slice %arg6[%run_scoped3A_78, %dma_wait3A_587, %dma_wait3A_588] : memref<3x80x128xf32, #tpu.memory_space<vmem>> -> memref<1x80x128xf32, #tpu.memory_space<vmem>>
      %dma_wait3A_590 = tpu.memref_squeeze %dma_wait3A_589 : memref<1x80x128xf32, #tpu.memory_space<vmem>> -> memref<80x128xf32, #tpu.memory_space<vmem>>
      %dma_wait3A_591 = arith.constant 0 : i32
      %dma_wait3A_592 = tpu.memref_slice %arg7[%add3A_77, %dma_wait3A_591] : memref<10240x128xf32, #tpu.memory_space<vmem_shared>> -> memref<80x128xf32, #tpu.memory_space<vmem_shared>>
      %dma_wait3A_593 = arith.constant 0 : i32
      %dma_wait3A_594 = tpu.memref_slice %arg7[%add3A_77, %dma_wait3A_593] : memref<10240x128xf32, #tpu.memory_space<vmem_shared>> -> memref<80x128xf32, #tpu.memory_space<vmem_shared>>
      %dma_wait3A_595 = arith.constant 0 : i32
      %dma_wait3A_596 = arith.constant 0 : i32
      %dma_wait3A_597 = tpu.memref_slice %arg6[%run_scoped3A_78, %dma_wait3A_595, %dma_wait3A_596] : memref<3x80x128xf32, #tpu.memory_space<vmem>> -> memref<1x80x128xf32, #tpu.memory_space<vmem>>
      %dma_wait3A_598 = tpu.memref_squeeze %dma_wait3A_597 : memref<1x80x128xf32, #tpu.memory_space<vmem>> -> memref<80x128xf32, #tpu.memory_space<vmem>>
      tpu.wait_dma2 semaphore(%run_scoped3A_574 : memref<!tpu.dma_semaphore, #tpu.memory_space<semaphore_mem>>) src(%dma_wait3A_598 : memref<80x128xf32, #tpu.memory_space<vmem>>) dst(%dma_wait3A_594 : memref<80x128xf32, #tpu.memory_space<vmem_shared>>)
      tpu.yield
    }) : () -> ()
    %add3A_79 = arith.constant 560 : i32
    %add3A_80 = arith.addi %mul3A_58, %add3A_79 : i32
    %run_scoped3A_81 = arith.constant 2 : i32
    "tpu.region"() ({
      %run_scoped3A_574 = tpu.sem_alloc : memref<!tpu.dma_semaphore, #tpu.memory_space<semaphore_mem>>
      %dma_start3A_575 = arith.constant 0 : i32
      %dma_start3A_576 = arith.constant 0 : i32
      %dma_start3A_577 = tpu.memref_slice %arg6[%run_scoped3A_81, %dma_start3A_575, %dma_start3A_576] : memref<3x80x128xf32, #tpu.memory_space<vmem>> -> memref<1x80x128xf32, #tpu.memory_space<vmem>>
      %dma_start3A_578 = tpu.memref_squeeze %dma_start3A_577 : memref<1x80x128xf32, #tpu.memory_space<vmem>> -> memref<80x128xf32, #tpu.memory_space<vmem>>
      %dma_start3A_579 = arith.constant 0 : i32
      %dma_start3A_580 = tpu.memref_slice %arg7[%add3A_80, %dma_start3A_579] : memref<10240x128xf32, #tpu.memory_space<vmem_shared>> -> memref<80x128xf32, #tpu.memory_space<vmem_shared>>
      %dma_start3A_581 = arith.constant 0 : i32
      %dma_start3A_582 = tpu.memref_slice %arg7[%add3A_80, %dma_start3A_581] : memref<10240x128xf32, #tpu.memory_space<vmem_shared>> -> memref<80x128xf32, #tpu.memory_space<vmem_shared>>
      %dma_start3A_583 = arith.constant 0 : i32
      %dma_start3A_584 = arith.constant 0 : i32
      %dma_start3A_585 = tpu.memref_slice %arg6[%run_scoped3A_81, %dma_start3A_583, %dma_start3A_584] : memref<3x80x128xf32, #tpu.memory_space<vmem>> -> memref<1x80x128xf32, #tpu.memory_space<vmem>>
      %dma_start3A_586 = tpu.memref_squeeze %dma_start3A_585 : memref<1x80x128xf32, #tpu.memory_space<vmem>> -> memref<80x128xf32, #tpu.memory_space<vmem>>
      tpu.enqueue_dma source(%dma_start3A_586 : memref<80x128xf32, #tpu.memory_space<vmem>>) target(%dma_start3A_582 : memref<80x128xf32, #tpu.memory_space<vmem_shared>>) target_semaphore(%run_scoped3A_574 : memref<!tpu.dma_semaphore, #tpu.memory_space<semaphore_mem>>)
      %dma_wait3A_587 = arith.constant 0 : i32
      %dma_wait3A_588 = arith.constant 0 : i32
      %dma_wait3A_589 = tpu.memref_slice %arg6[%run_scoped3A_81, %dma_wait3A_587, %dma_wait3A_588] : memref<3x80x128xf32, #tpu.memory_space<vmem>> -> memref<1x80x128xf32, #tpu.memory_space<vmem>>
      %dma_wait3A_590 = tpu.memref_squeeze %dma_wait3A_589 : memref<1x80x128xf32, #tpu.memory_space<vmem>> -> memref<80x128xf32, #tpu.memory_space<vmem>>
      %dma_wait3A_591 = arith.constant 0 : i32
      %dma_wait3A_592 = tpu.memref_slice %arg7[%add3A_80, %dma_wait3A_591] : memref<10240x128xf32, #tpu.memory_space<vmem_shared>> -> memref<80x128xf32, #tpu.memory_space<vmem_shared>>
      %dma_wait3A_593 = arith.constant 0 : i32
      %dma_wait3A_594 = tpu.memref_slice %arg7[%add3A_80, %dma_wait3A_593] : memref<10240x128xf32, #tpu.memory_space<vmem_shared>> -> memref<80x128xf32, #tpu.memory_space<vmem_shared>>
      %dma_wait3A_595 = arith.constant 0 : i32
      %dma_wait3A_596 = arith.constant 0 : i32
      %dma_wait3A_597 = tpu.memref_slice %arg6[%run_scoped3A_81, %dma_wait3A_595, %dma_wait3A_596] : memref<3x80x128xf32, #tpu.memory_space<vmem>> -> memref<1x80x128xf32, #tpu.memory_space<vmem>>
      %dma_wait3A_598 = tpu.memref_squeeze %dma_wait3A_597 : memref<1x80x128xf32, #tpu.memory_space<vmem>> -> memref<80x128xf32, #tpu.memory_space<vmem>>
      tpu.wait_dma2 semaphore(%run_scoped3A_574 : memref<!tpu.dma_semaphore, #tpu.memory_space<semaphore_mem>>) src(%dma_wait3A_598 : memref<80x128xf32, #tpu.memory_space<vmem>>) dst(%dma_wait3A_594 : memref<80x128xf32, #tpu.memory_space<vmem_shared>>)
      tpu.yield
    }) : () -> ()
    %dma_wait3A = arith.constant 1 : i32
    %dma_wait3A_82 = arith.constant 0 : i32
    %dma_wait3A_83 = arith.constant 0 : i32
    %dma_wait3A_84 = arith.constant 0 : i32
    %dma_wait3A_85 = tpu.memref_slice %arg3[%dma_wait3A, %dma_wait3A_82, %dma_wait3A_83, %dma_wait3A_84] : memref<2x32x125x80xi32, #tpu.memory_space<hbm>> -> memref<1x32x125x80xi32, #tpu.memory_space<hbm>>
    %dma_wait3A_86 = tpu.memref_squeeze %dma_wait3A_85 : memref<1x32x125x80xi32, #tpu.memory_space<hbm>> -> memref<32x125x80xi32, #tpu.memory_space<hbm>>
    %dma_wait3A_87 = arith.constant 0 : i32
    %dma_wait3A_88 = arith.constant 0 : i32
    %dma_wait3A_89 = tpu.memref_slice %dma_wait3A_86[%add3A, %dma_wait3A_87, %dma_wait3A_88] : memref<32x125x80xi32, #tpu.memory_space<hbm>> -> memref<1x125x80xi32, #tpu.memory_space<hbm>>
    %dma_wait3A_90 = tpu.memref_squeeze %dma_wait3A_89 : memref<1x125x80xi32, #tpu.memory_space<hbm>> -> memref<125x80xi32, #tpu.memory_space<hbm>>
    %dma_wait3A_91 = arith.constant 0 : i32
    %dma_wait3A_92 = arith.constant 0 : i32
    %dma_wait3A_93 = arith.constant 0 : i32
    %dma_wait3A_94 = tpu.memref_slice %arg3[%dma_wait3A, %dma_wait3A_91, %dma_wait3A_92, %dma_wait3A_93] : memref<2x32x125x80xi32, #tpu.memory_space<hbm>> -> memref<1x32x125x80xi32, #tpu.memory_space<hbm>>
    %dma_wait3A_95 = tpu.memref_squeeze %dma_wait3A_94 : memref<1x32x125x80xi32, #tpu.memory_space<hbm>> -> memref<32x125x80xi32, #tpu.memory_space<hbm>>
    %dma_wait3A_96 = arith.constant 0 : i32
    %dma_wait3A_97 = arith.constant 0 : i32
    %dma_wait3A_98 = tpu.memref_slice %dma_wait3A_95[%add3A, %dma_wait3A_96, %dma_wait3A_97] : memref<32x125x80xi32, #tpu.memory_space<hbm>> -> memref<1x125x80xi32, #tpu.memory_space<hbm>>
    %dma_wait3A_99 = tpu.memref_squeeze %dma_wait3A_98 : memref<1x125x80xi32, #tpu.memory_space<hbm>> -> memref<125x80xi32, #tpu.memory_space<hbm>>
    tpu.wait_dma2 semaphore(%arg14 : memref<!tpu.dma_semaphore, #tpu.memory_space<semaphore_mem>>) src(%dma_wait3A_99 : memref<125x80xi32, #tpu.memory_space<hbm>>) dst(%arg5 : memref<125x80xi32, #tpu.memory_space<vmem>>)
    %barrier3A = arith.constant 0 : index
    tpu.barrier barrier_id(%barrier3A)
    %scan3A_100 = arith.constant 0 : i32
    %scan3A_101 = arith.constant 0 : i32
    %scan3A_102 = arith.constant 41 : i32
    %scan3A_103 = arith.addi %scan3A_101, %scan3A_102 : i32
    %scan3A_104 = arith.constant 1 : i32
    %scan3A_105 = scf.for %scan3A_574 = %scan3A_101 to %scan3A_103 step %scan3A_104 iter_args(%scan3A_575 = %scan3A_100) -> (i32)  : i32 {
      %mul3A_576 = arith.constant 3 : i32
      %mul3A_577 = arith.muli %mul3A_576, %scan3A_574 : i32
      %add3A_578 = arith.constant 0 : i32
      %add3A_579 = arith.addi %mul3A_577, %add3A_578 : i32
      %mul3A_580 = arith.constant 80 : i32
      %mul3A_581 = arith.muli %add3A_579, %mul3A_580 : i32
      %add3A_582 = arith.addi %mul3A_2, %mul3A_581 : i32
      %dma_wait3A_583 = arith.constant 0 : i32
      %dma_wait3A_584 = arith.constant 0 : i32
      %dma_wait3A_585 = arith.constant 0 : i32
      %dma_wait3A_586 = tpu.memref_slice %arg6[%dma_wait3A_583, %dma_wait3A_584, %dma_wait3A_585] : memref<3x80x128xf32, #tpu.memory_space<vmem>> -> memref<1x80x128xf32, #tpu.memory_space<vmem>>
      %dma_wait3A_587 = tpu.memref_squeeze %dma_wait3A_586 : memref<1x80x128xf32, #tpu.memory_space<vmem>> -> memref<80x128xf32, #tpu.memory_space<vmem>>
      %dma_wait3A_588 = arith.constant 0 : i32
      %dma_wait3A_589 = tpu.memref_slice %arg2[%add3A_582, %dma_wait3A_588] : memref<320000x128xf32, #tpu.memory_space<hbm>> -> memref<80x128xf32, #tpu.memory_space<hbm>>
      %dma_wait3A_590 = arith.constant 0 : i32
      %dma_wait3A_591 = arith.constant 0 : i32
      %dma_wait3A_592 = tpu.memref_slice %arg6[%dma_wait3A_583, %dma_wait3A_590, %dma_wait3A_591] : memref<3x80x128xf32, #tpu.memory_space<vmem>> -> memref<1x80x128xf32, #tpu.memory_space<vmem>>
      %dma_wait3A_593 = tpu.memref_squeeze %dma_wait3A_592 : memref<1x80x128xf32, #tpu.memory_space<vmem>> -> memref<80x128xf32, #tpu.memory_space<vmem>>
      %dma_wait3A_594 = arith.constant 0 : i32
      %dma_wait3A_595 = tpu.memref_slice %arg2[%add3A_582, %dma_wait3A_594] : memref<320000x128xf32, #tpu.memory_space<hbm>> -> memref<80x128xf32, #tpu.memory_space<hbm>>
      tpu.wait_dma2 semaphore(%arg8 : memref<!tpu.dma_semaphore, #tpu.memory_space<semaphore_mem>>) src(%dma_wait3A_595 : memref<80x128xf32, #tpu.memory_space<hbm>>) dst(%dma_wait3A_593 : memref<80x128xf32, #tpu.memory_space<vmem>>)
      %dma_start3A_596 = arith.constant 0 : i32
      %dma_start3A_597 = arith.constant 0 : i32
      %dma_start3A_598 = arith.constant 0 : i32
      %dma_start3A_599 = tpu.memref_slice %arg6[%dma_start3A_596, %dma_start3A_597, %dma_start3A_598] : memref<3x80x128xf32, #tpu.memory_space<vmem>> -> memref<1x80x128xf32, #tpu.memory_space<vmem>>
      %dma_start3A_600 = tpu.memref_squeeze %dma_start3A_599 : memref<1x80x128xf32, #tpu.memory_space<vmem>> -> memref<80x128xf32, #tpu.memory_space<vmem>>
      %dma_start3A_601 = arith.constant 0 : i32
      %dma_start3A_602 = tpu.memref_slice %arg5[%add3A_579, %dma_start3A_601] : memref<125x80xi32, #tpu.memory_space<vmem>> -> memref<1x80xi32, #tpu.memory_space<vmem>>
      %dma_start3A_603 = tpu.memref_squeeze %dma_start3A_602 : memref<1x80xi32, #tpu.memory_space<vmem>> -> memref<80xi32, #tpu.memory_space<vmem>>
      %dma_start3A_604 = arith.constant 0 : i32
      %dma_start3A_605 = arith.constant 0 : i32
      %dma_start3A_606 = tpu.memref_slice %arg7[%dma_start3A_604, %dma_start3A_605] : memref<10240x128xf32, #tpu.memory_space<vmem_shared>> -> memref<10240x128xf32, #tpu.memory_space<vmem_shared>>
      tpu.enqueue_indirect_dma source(%dma_start3A_600 : memref<80x128xf32, #tpu.memory_space<vmem>>) target(%dma_start3A_606 : memref<10240x128xf32, #tpu.memory_space<vmem_shared>>) offsets(%dma_start3A_603 : memref<80xi32, #tpu.memory_space<vmem>>) semaphore(%arg11 : memref<!tpu.dma_semaphore, #tpu.memory_space<semaphore_mem>>) {add = true}
      %add3A_607 = arith.constant 2 : i32
      %add3A_608 = arith.addi %add3A_579, %add3A_607 : i32
      %lt3A = arith.constant 125 : i32
      %lt3A_609 = arith.cmpi slt, %add3A_608, %lt3A : i32
      %convert_element_type3A = arith.extui %lt3A_609 : i1 to i32
      %cond3A = arith.constant 0 : i32
      %cond3A_610 = arith.cmpi ne, %convert_element_type3A, %cond3A : i32
      scf.if %cond3A_610 {
        %gt3A = arith.constant 0 : i32
        %gt3A_688 = arith.cmpi sgt, %add3A_579, %gt3A : i32
        %convert_element_type3A_689 = arith.extui %gt3A_688 : i1 to i32
        %cond3A_690 = arith.constant 0 : i32
        %cond3A_691 = arith.cmpi ne, %convert_element_type3A_689, %cond3A_690 : i32
        scf.if %cond3A_691 {
          %sub3A = arith.constant 1 : i32
          %sub3A_710 = arith.subi %add3A_579, %sub3A : i32
          %dma_wait3A_711 = arith.constant 2 : i32
          %dma_wait3A_712 = arith.constant 0 : i32
          %dma_wait3A_713 = arith.constant 0 : i32
          %dma_wait3A_714 = tpu.memref_slice %arg6[%dma_wait3A_711, %dma_wait3A_712, %dma_wait3A_713] : memref<3x80x128xf32, #tpu.memory_space<vmem>> -> memref<1x80x128xf32, #tpu.memory_space<vmem>>
          %dma_wait3A_715 = tpu.memref_squeeze %dma_wait3A_714 : memref<1x80x128xf32, #tpu.memory_space<vmem>> -> memref<80x128xf32, #tpu.memory_space<vmem>>
          %dma_wait3A_716 = arith.constant 0 : i32
          %dma_wait3A_717 = tpu.memref_slice %arg5[%sub3A_710, %dma_wait3A_716] : memref<125x80xi32, #tpu.memory_space<vmem>> -> memref<1x80xi32, #tpu.memory_space<vmem>>
          %dma_wait3A_718 = tpu.memref_squeeze %dma_wait3A_717 : memref<1x80xi32, #tpu.memory_space<vmem>> -> memref<80xi32, #tpu.memory_space<vmem>>
          %dma_wait3A_719 = arith.constant 0 : i32
          %dma_wait3A_720 = arith.constant 0 : i32
          %dma_wait3A_721 = tpu.memref_slice %arg7[%dma_wait3A_719, %dma_wait3A_720] : memref<10240x128xf32, #tpu.memory_space<vmem_shared>> -> memref<10240x128xf32, #tpu.memory_space<vmem_shared>>
          tpu.wait_indirect_dma semaphore(%arg13 : memref<!tpu.dma_semaphore, #tpu.memory_space<semaphore_mem>>) src(%dma_wait3A_715 : memref<80x128xf32, #tpu.memory_space<vmem>>) dst(%dma_wait3A_721 : memref<10240x128xf32, #tpu.memory_space<vmem_shared>>)
        } else {
        }
        %add3A_692 = arith.constant 2 : i32
        %add3A_693 = arith.addi %add3A_579, %add3A_692 : i32
        %mul3A_694 = arith.constant 80 : i32
        %mul3A_695 = arith.muli %add3A_693, %mul3A_694 : i32
        %add3A_696 = arith.addi %mul3A_2, %mul3A_695 : i32
        %dma_start3A_697 = arith.constant 2 : i32
        %dma_start3A_698 = arith.constant 0 : i32
        %dma_start3A_699 = arith.constant 0 : i32
        %dma_start3A_700 = tpu.memref_slice %arg6[%dma_start3A_697, %dma_start3A_698, %dma_start3A_699] : memref<3x80x128xf32, #tpu.memory_space<vmem>> -> memref<1x80x128xf32, #tpu.memory_space<vmem>>
        %dma_start3A_701 = tpu.memref_squeeze %dma_start3A_700 : memref<1x80x128xf32, #tpu.memory_space<vmem>> -> memref<80x128xf32, #tpu.memory_space<vmem>>
        %dma_start3A_702 = arith.constant 0 : i32
        %dma_start3A_703 = tpu.memref_slice %arg2[%add3A_696, %dma_start3A_702] : memref<320000x128xf32, #tpu.memory_space<hbm>> -> memref<80x128xf32, #tpu.memory_space<hbm>>
        %dma_start3A_704 = arith.constant 0 : i32
        %dma_start3A_705 = arith.constant 0 : i32
        %dma_start3A_706 = tpu.memref_slice %arg6[%dma_start3A_697, %dma_start3A_704, %dma_start3A_705] : memref<3x80x128xf32, #tpu.memory_space<vmem>> -> memref<1x80x128xf32, #tpu.memory_space<vmem>>
        %dma_start3A_707 = tpu.memref_squeeze %dma_start3A_706 : memref<1x80x128xf32, #tpu.memory_space<vmem>> -> memref<80x128xf32, #tpu.memory_space<vmem>>
        %dma_start3A_708 = arith.constant 0 : i32
        %dma_start3A_709 = tpu.memref_slice %arg2[%add3A_696, %dma_start3A_708] : memref<320000x128xf32, #tpu.memory_space<hbm>> -> memref<80x128xf32, #tpu.memory_space<hbm>>
        tpu.enqueue_dma source(%dma_start3A_709 : memref<80x128xf32, #tpu.memory_space<hbm>>) target(%dma_start3A_707 : memref<80x128xf32, #tpu.memory_space<vmem>>) target_semaphore(%arg10 : memref<!tpu.dma_semaphore, #tpu.memory_space<semaphore_mem>>)
      } else {
      }
      %mul3A_611 = arith.constant 3 : i32
      %mul3A_612 = arith.muli %mul3A_611, %scan3A_574 : i32
      %add3A_613 = arith.constant 1 : i32
      %add3A_614 = arith.addi %mul3A_612, %add3A_613 : i32
      %mul3A_615 = arith.constant 80 : i32
      %mul3A_616 = arith.muli %add3A_614, %mul3A_615 : i32
      %add3A_617 = arith.addi %mul3A_2, %mul3A_616 : i32
      %dma_wait3A_618 = arith.constant 1 : i32
      %dma_wait3A_619 = arith.constant 0 : i32
      %dma_wait3A_620 = arith.constant 0 : i32
      %dma_wait3A_621 = tpu.memref_slice %arg6[%dma_wait3A_618, %dma_wait3A_619, %dma_wait3A_620] : memref<3x80x128xf32, #tpu.memory_space<vmem>> -> memref<1x80x128xf32, #tpu.memory_space<vmem>>
      %dma_wait3A_622 = tpu.memref_squeeze %dma_wait3A_621 : memref<1x80x128xf32, #tpu.memory_space<vmem>> -> memref<80x128xf32, #tpu.memory_space<vmem>>
      %dma_wait3A_623 = arith.constant 0 : i32
      %dma_wait3A_624 = tpu.memref_slice %arg2[%add3A_617, %dma_wait3A_623] : memref<320000x128xf32, #tpu.memory_space<hbm>> -> memref<80x128xf32, #tpu.memory_space<hbm>>
      %dma_wait3A_625 = arith.constant 0 : i32
      %dma_wait3A_626 = arith.constant 0 : i32
      %dma_wait3A_627 = tpu.memref_slice %arg6[%dma_wait3A_618, %dma_wait3A_625, %dma_wait3A_626] : memref<3x80x128xf32, #tpu.memory_space<vmem>> -> memref<1x80x128xf32, #tpu.memory_space<vmem>>
      %dma_wait3A_628 = tpu.memref_squeeze %dma_wait3A_627 : memref<1x80x128xf32, #tpu.memory_space<vmem>> -> memref<80x128xf32, #tpu.memory_space<vmem>>
      %dma_wait3A_629 = arith.constant 0 : i32
      %dma_wait3A_630 = tpu.memref_slice %arg2[%add3A_617, %dma_wait3A_629] : memref<320000x128xf32, #tpu.memory_space<hbm>> -> memref<80x128xf32, #tpu.memory_space<hbm>>
      tpu.wait_dma2 semaphore(%arg9 : memref<!tpu.dma_semaphore, #tpu.memory_space<semaphore_mem>>) src(%dma_wait3A_630 : memref<80x128xf32, #tpu.memory_space<hbm>>) dst(%dma_wait3A_628 : memref<80x128xf32, #tpu.memory_space<vmem>>)
      %dma_start3A_631 = arith.constant 1 : i32
      %dma_start3A_632 = arith.constant 0 : i32
      %dma_start3A_633 = arith.constant 0 : i32
      %dma_start3A_634 = tpu.memref_slice %arg6[%dma_start3A_631, %dma_start3A_632, %dma_start3A_633] : memref<3x80x128xf32, #tpu.memory_space<vmem>> -> memref<1x80x128xf32, #tpu.memory_space<vmem>>
      %dma_start3A_635 = tpu.memref_squeeze %dma_start3A_634 : memref<1x80x128xf32, #tpu.memory_space<vmem>> -> memref<80x128xf32, #tpu.memory_space<vmem>>
      %dma_start3A_636 = arith.constant 0 : i32
      %dma_start3A_637 = tpu.memref_slice %arg5[%add3A_614, %dma_start3A_636] : memref<125x80xi32, #tpu.memory_space<vmem>> -> memref<1x80xi32, #tpu.memory_space<vmem>>
      %dma_start3A_638 = tpu.memref_squeeze %dma_start3A_637 : memref<1x80xi32, #tpu.memory_space<vmem>> -> memref<80xi32, #tpu.memory_space<vmem>>
      %dma_start3A_639 = arith.constant 0 : i32
      %dma_start3A_640 = arith.constant 0 : i32
      %dma_start3A_641 = tpu.memref_slice %arg7[%dma_start3A_639, %dma_start3A_640] : memref<10240x128xf32, #tpu.memory_space<vmem_shared>> -> memref<10240x128xf32, #tpu.memory_space<vmem_shared>>
      tpu.enqueue_indirect_dma source(%dma_start3A_635 : memref<80x128xf32, #tpu.memory_space<vmem>>) target(%dma_start3A_641 : memref<10240x128xf32, #tpu.memory_space<vmem_shared>>) offsets(%dma_start3A_638 : memref<80xi32, #tpu.memory_space<vmem>>) semaphore(%arg12 : memref<!tpu.dma_semaphore, #tpu.memory_space<semaphore_mem>>) {add = true}
      %add3A_642 = arith.constant 2 : i32
      %add3A_643 = arith.addi %add3A_614, %add3A_642 : i32
      %lt3A_644 = arith.constant 125 : i32
      %lt3A_645 = arith.cmpi slt, %add3A_643, %lt3A_644 : i32
      %convert_element_type3A_646 = arith.extui %lt3A_645 : i1 to i32
      %cond3A_647 = arith.constant 0 : i32
      %cond3A_648 = arith.cmpi ne, %convert_element_type3A_646, %cond3A_647 : i32
      scf.if %cond3A_648 {
        %gt3A = arith.constant 0 : i32
        %gt3A_688 = arith.cmpi sgt, %add3A_614, %gt3A : i32
        %convert_element_type3A_689 = arith.extui %gt3A_688 : i1 to i32
        %cond3A_690 = arith.constant 0 : i32
        %cond3A_691 = arith.cmpi ne, %convert_element_type3A_689, %cond3A_690 : i32
        scf.if %cond3A_691 {
          %sub3A = arith.constant 1 : i32
          %sub3A_710 = arith.subi %add3A_614, %sub3A : i32
          %dma_wait3A_711 = arith.constant 0 : i32
          %dma_wait3A_712 = arith.constant 0 : i32
          %dma_wait3A_713 = arith.constant 0 : i32
          %dma_wait3A_714 = tpu.memref_slice %arg6[%dma_wait3A_711, %dma_wait3A_712, %dma_wait3A_713] : memref<3x80x128xf32, #tpu.memory_space<vmem>> -> memref<1x80x128xf32, #tpu.memory_space<vmem>>
          %dma_wait3A_715 = tpu.memref_squeeze %dma_wait3A_714 : memref<1x80x128xf32, #tpu.memory_space<vmem>> -> memref<80x128xf32, #tpu.memory_space<vmem>>
          %dma_wait3A_716 = arith.constant 0 : i32
          %dma_wait3A_717 = tpu.memref_slice %arg5[%sub3A_710, %dma_wait3A_716] : memref<125x80xi32, #tpu.memory_space<vmem>> -> memref<1x80xi32, #tpu.memory_space<vmem>>
          %dma_wait3A_718 = tpu.memref_squeeze %dma_wait3A_717 : memref<1x80xi32, #tpu.memory_space<vmem>> -> memref<80xi32, #tpu.memory_space<vmem>>
          %dma_wait3A_719 = arith.constant 0 : i32
          %dma_wait3A_720 = arith.constant 0 : i32
          %dma_wait3A_721 = tpu.memref_slice %arg7[%dma_wait3A_719, %dma_wait3A_720] : memref<10240x128xf32, #tpu.memory_space<vmem_shared>> -> memref<10240x128xf32, #tpu.memory_space<vmem_shared>>
          tpu.wait_indirect_dma semaphore(%arg11 : memref<!tpu.dma_semaphore, #tpu.memory_space<semaphore_mem>>) src(%dma_wait3A_715 : memref<80x128xf32, #tpu.memory_space<vmem>>) dst(%dma_wait3A_721 : memref<10240x128xf32, #tpu.memory_space<vmem_shared>>)
        } else {
        }
        %add3A_692 = arith.constant 2 : i32
        %add3A_693 = arith.addi %add3A_614, %add3A_692 : i32
        %mul3A_694 = arith.constant 80 : i32
        %mul3A_695 = arith.muli %add3A_693, %mul3A_694 : i32
        %add3A_696 = arith.addi %mul3A_2, %mul3A_695 : i32
        %dma_start3A_697 = arith.constant 0 : i32
        %dma_start3A_698 = arith.constant 0 : i32
        %dma_start3A_699 = arith.constant 0 : i32
        %dma_start3A_700 = tpu.memref_slice %arg6[%dma_start3A_697, %dma_start3A_698, %dma_start3A_699] : memref<3x80x128xf32, #tpu.memory_space<vmem>> -> memref<1x80x128xf32, #tpu.memory_space<vmem>>
        %dma_start3A_701 = tpu.memref_squeeze %dma_start3A_700 : memref<1x80x128xf32, #tpu.memory_space<vmem>> -> memref<80x128xf32, #tpu.memory_space<vmem>>
        %dma_start3A_702 = arith.constant 0 : i32
        %dma_start3A_703 = tpu.memref_slice %arg2[%add3A_696, %dma_start3A_702] : memref<320000x128xf32, #tpu.memory_space<hbm>> -> memref<80x128xf32, #tpu.memory_space<hbm>>
        %dma_start3A_704 = arith.constant 0 : i32
        %dma_start3A_705 = arith.constant 0 : i32
        %dma_start3A_706 = tpu.memref_slice %arg6[%dma_start3A_697, %dma_start3A_704, %dma_start3A_705] : memref<3x80x128xf32, #tpu.memory_space<vmem>> -> memref<1x80x128xf32, #tpu.memory_space<vmem>>
        %dma_start3A_707 = tpu.memref_squeeze %dma_start3A_706 : memref<1x80x128xf32, #tpu.memory_space<vmem>> -> memref<80x128xf32, #tpu.memory_space<vmem>>
        %dma_start3A_708 = arith.constant 0 : i32
        %dma_start3A_709 = tpu.memref_slice %arg2[%add3A_696, %dma_start3A_708] : memref<320000x128xf32, #tpu.memory_space<hbm>> -> memref<80x128xf32, #tpu.memory_space<hbm>>
        tpu.enqueue_dma source(%dma_start3A_709 : memref<80x128xf32, #tpu.memory_space<hbm>>) target(%dma_start3A_707 : memref<80x128xf32, #tpu.memory_space<vmem>>) target_semaphore(%arg8 : memref<!tpu.dma_semaphore, #tpu.memory_space<semaphore_mem>>)
      } else {
      }
      %mul3A_649 = arith.constant 3 : i32
      %mul3A_650 = arith.muli %mul3A_649, %scan3A_574 : i32
      %add3A_651 = arith.constant 2 : i32
      %add3A_652 = arith.addi %mul3A_650, %add3A_651 : i32
      %mul3A_653 = arith.constant 80 : i32
      %mul3A_654 = arith.muli %add3A_652, %mul3A_653 : i32
      %add3A_655 = arith.addi %mul3A_2, %mul3A_654 : i32
      %dma_wait3A_656 = arith.constant 2 : i32
      %dma_wait3A_657 = arith.constant 0 : i32
      %dma_wait3A_658 = arith.constant 0 : i32
      %dma_wait3A_659 = tpu.memref_slice %arg6[%dma_wait3A_656, %dma_wait3A_657, %dma_wait3A_658] : memref<3x80x128xf32, #tpu.memory_space<vmem>> -> memref<1x80x128xf32, #tpu.memory_space<vmem>>
      %dma_wait3A_660 = tpu.memref_squeeze %dma_wait3A_659 : memref<1x80x128xf32, #tpu.memory_space<vmem>> -> memref<80x128xf32, #tpu.memory_space<vmem>>
      %dma_wait3A_661 = arith.constant 0 : i32
      %dma_wait3A_662 = tpu.memref_slice %arg2[%add3A_655, %dma_wait3A_661] : memref<320000x128xf32, #tpu.memory_space<hbm>> -> memref<80x128xf32, #tpu.memory_space<hbm>>
      %dma_wait3A_663 = arith.constant 0 : i32
      %dma_wait3A_664 = arith.constant 0 : i32
      %dma_wait3A_665 = tpu.memref_slice %arg6[%dma_wait3A_656, %dma_wait3A_663, %dma_wait3A_664] : memref<3x80x128xf32, #tpu.memory_space<vmem>> -> memref<1x80x128xf32, #tpu.memory_space<vmem>>
      %dma_wait3A_666 = tpu.memref_squeeze %dma_wait3A_665 : memref<1x80x128xf32, #tpu.memory_space<vmem>> -> memref<80x128xf32, #tpu.memory_space<vmem>>
      %dma_wait3A_667 = arith.constant 0 : i32
      %dma_wait3A_668 = tpu.memref_slice %arg2[%add3A_655, %dma_wait3A_667] : memref<320000x128xf32, #tpu.memory_space<hbm>> -> memref<80x128xf32, #tpu.memory_space<hbm>>
      tpu.wait_dma2 semaphore(%arg10 : memref<!tpu.dma_semaphore, #tpu.memory_space<semaphore_mem>>) src(%dma_wait3A_668 : memref<80x128xf32, #tpu.memory_space<hbm>>) dst(%dma_wait3A_666 : memref<80x128xf32, #tpu.memory_space<vmem>>)
      %dma_start3A_669 = arith.constant 2 : i32
      %dma_start3A_670 = arith.constant 0 : i32
      %dma_start3A_671 = arith.constant 0 : i32
      %dma_start3A_672 = tpu.memref_slice %arg6[%dma_start3A_669, %dma_start3A_670, %dma_start3A_671] : memref<3x80x128xf32, #tpu.memory_space<vmem>> -> memref<1x80x128xf32, #tpu.memory_space<vmem>>
      %dma_start3A_673 = tpu.memref_squeeze %dma_start3A_672 : memref<1x80x128xf32, #tpu.memory_space<vmem>> -> memref<80x128xf32, #tpu.memory_space<vmem>>
      %dma_start3A_674 = arith.constant 0 : i32
      %dma_start3A_675 = tpu.memref_slice %arg5[%add3A_652, %dma_start3A_674] : memref<125x80xi32, #tpu.memory_space<vmem>> -> memref<1x80xi32, #tpu.memory_space<vmem>>
      %dma_start3A_676 = tpu.memref_squeeze %dma_start3A_675 : memref<1x80xi32, #tpu.memory_space<vmem>> -> memref<80xi32, #tpu.memory_space<vmem>>
      %dma_start3A_677 = arith.constant 0 : i32
      %dma_start3A_678 = arith.constant 0 : i32
      %dma_start3A_679 = tpu.memref_slice %arg7[%dma_start3A_677, %dma_start3A_678] : memref<10240x128xf32, #tpu.memory_space<vmem_shared>> -> memref<10240x128xf32, #tpu.memory_space<vmem_shared>>
      tpu.enqueue_indirect_dma source(%dma_start3A_673 : memref<80x128xf32, #tpu.memory_space<vmem>>) target(%dma_start3A_679 : memref<10240x128xf32, #tpu.memory_space<vmem_shared>>) offsets(%dma_start3A_676 : memref<80xi32, #tpu.memory_space<vmem>>) semaphore(%arg13 : memref<!tpu.dma_semaphore, #tpu.memory_space<semaphore_mem>>) {add = true}
      %add3A_680 = arith.constant 2 : i32
      %add3A_681 = arith.addi %add3A_652, %add3A_680 : i32
      %lt3A_682 = arith.constant 125 : i32
      %lt3A_683 = arith.cmpi slt, %add3A_681, %lt3A_682 : i32
      %convert_element_type3A_684 = arith.extui %lt3A_683 : i1 to i32
      %cond3A_685 = arith.constant 0 : i32
      %cond3A_686 = arith.cmpi ne, %convert_element_type3A_684, %cond3A_685 : i32
      scf.if %cond3A_686 {
        %gt3A = arith.constant 0 : i32
        %gt3A_688 = arith.cmpi sgt, %add3A_652, %gt3A : i32
        %convert_element_type3A_689 = arith.extui %gt3A_688 : i1 to i32
        %cond3A_690 = arith.constant 0 : i32
        %cond3A_691 = arith.cmpi ne, %convert_element_type3A_689, %cond3A_690 : i32
        scf.if %cond3A_691 {
          %sub3A = arith.constant 1 : i32
          %sub3A_710 = arith.subi %add3A_652, %sub3A : i32
          %dma_wait3A_711 = arith.constant 1 : i32
          %dma_wait3A_712 = arith.constant 0 : i32
          %dma_wait3A_713 = arith.constant 0 : i32
          %dma_wait3A_714 = tpu.memref_slice %arg6[%dma_wait3A_711, %dma_wait3A_712, %dma_wait3A_713] : memref<3x80x128xf32, #tpu.memory_space<vmem>> -> memref<1x80x128xf32, #tpu.memory_space<vmem>>
          %dma_wait3A_715 = tpu.memref_squeeze %dma_wait3A_714 : memref<1x80x128xf32, #tpu.memory_space<vmem>> -> memref<80x128xf32, #tpu.memory_space<vmem>>
          %dma_wait3A_716 = arith.constant 0 : i32
          %dma_wait3A_717 = tpu.memref_slice %arg5[%sub3A_710, %dma_wait3A_716] : memref<125x80xi32, #tpu.memory_space<vmem>> -> memref<1x80xi32, #tpu.memory_space<vmem>>
          %dma_wait3A_718 = tpu.memref_squeeze %dma_wait3A_717 : memref<1x80xi32, #tpu.memory_space<vmem>> -> memref<80xi32, #tpu.memory_space<vmem>>
          %dma_wait3A_719 = arith.constant 0 : i32
          %dma_wait3A_720 = arith.constant 0 : i32
          %dma_wait3A_721 = tpu.memref_slice %arg7[%dma_wait3A_719, %dma_wait3A_720] : memref<10240x128xf32, #tpu.memory_space<vmem_shared>> -> memref<10240x128xf32, #tpu.memory_space<vmem_shared>>
          tpu.wait_indirect_dma semaphore(%arg12 : memref<!tpu.dma_semaphore, #tpu.memory_space<semaphore_mem>>) src(%dma_wait3A_715 : memref<80x128xf32, #tpu.memory_space<vmem>>) dst(%dma_wait3A_721 : memref<10240x128xf32, #tpu.memory_space<vmem_shared>>)
        } else {
        }
        %add3A_692 = arith.constant 2 : i32
        %add3A_693 = arith.addi %add3A_652, %add3A_692 : i32
        %mul3A_694 = arith.constant 80 : i32
        %mul3A_695 = arith.muli %add3A_693, %mul3A_694 : i32
        %add3A_696 = arith.addi %mul3A_2, %mul3A_695 : i32
        %dma_start3A_697 = arith.constant 1 : i32
        %dma_start3A_698 = arith.constant 0 : i32
        %dma_start3A_699 = arith.constant 0 : i32
        %dma_start3A_700 = tpu.memref_slice %arg6[%dma_start3A_697, %dma_start3A_698, %dma_start3A_699] : memref<3x80x128xf32, #tpu.memory_space<vmem>> -> memref<1x80x128xf32, #tpu.memory_space<vmem>>
        %dma_start3A_701 = tpu.memref_squeeze %dma_start3A_700 : memref<1x80x128xf32, #tpu.memory_space<vmem>> -> memref<80x128xf32, #tpu.memory_space<vmem>>
        %dma_start3A_702 = arith.constant 0 : i32
        %dma_start3A_703 = tpu.memref_slice %arg2[%add3A_696, %dma_start3A_702] : memref<320000x128xf32, #tpu.memory_space<hbm>> -> memref<80x128xf32, #tpu.memory_space<hbm>>
        %dma_start3A_704 = arith.constant 0 : i32
        %dma_start3A_705 = arith.constant 0 : i32
        %dma_start3A_706 = tpu.memref_slice %arg6[%dma_start3A_697, %dma_start3A_704, %dma_start3A_705] : memref<3x80x128xf32, #tpu.memory_space<vmem>> -> memref<1x80x128xf32, #tpu.memory_space<vmem>>
        %dma_start3A_707 = tpu.memref_squeeze %dma_start3A_706 : memref<1x80x128xf32, #tpu.memory_space<vmem>> -> memref<80x128xf32, #tpu.memory_space<vmem>>
        %dma_start3A_708 = arith.constant 0 : i32
        %dma_start3A_709 = tpu.memref_slice %arg2[%add3A_696, %dma_start3A_708] : memref<320000x128xf32, #tpu.memory_space<hbm>> -> memref<80x128xf32, #tpu.memory_space<hbm>>
        tpu.enqueue_dma source(%dma_start3A_709 : memref<80x128xf32, #tpu.memory_space<hbm>>) target(%dma_start3A_707 : memref<80x128xf32, #tpu.memory_space<vmem>>) target_semaphore(%arg9 : memref<!tpu.dma_semaphore, #tpu.memory_space<semaphore_mem>>)
      } else {
      }
      %scan3A_687 = arith.constant 0 : i32
      scf.yield %scan3A_687 : i32
    }
    %scan3A_106 = arith.constant 41 : i32
    %add3A_107 = arith.constant 9840 : i32
    %add3A_108 = arith.addi %mul3A_2, %add3A_107 : i32
    %dma_wait3A_109 = arith.constant 0 : i32
    %dma_wait3A_110 = arith.constant 0 : i32
    %dma_wait3A_111 = arith.constant 0 : i32
    %dma_wait3A_112 = tpu.memref_slice %arg6[%dma_wait3A_109, %dma_wait3A_110, %dma_wait3A_111] : memref<3x80x128xf32, #tpu.memory_space<vmem>> -> memref<1x80x128xf32, #tpu.memory_space<vmem>>
    %dma_wait3A_113 = tpu.memref_squeeze %dma_wait3A_112 : memref<1x80x128xf32, #tpu.memory_space<vmem>> -> memref<80x128xf32, #tpu.memory_space<vmem>>
    %dma_wait3A_114 = arith.constant 0 : i32
    %dma_wait3A_115 = tpu.memref_slice %arg2[%add3A_108, %dma_wait3A_114] : memref<320000x128xf32, #tpu.memory_space<hbm>> -> memref<80x128xf32, #tpu.memory_space<hbm>>
    %dma_wait3A_116 = arith.constant 0 : i32
    %dma_wait3A_117 = arith.constant 0 : i32
    %dma_wait3A_118 = tpu.memref_slice %arg6[%dma_wait3A_109, %dma_wait3A_116, %dma_wait3A_117] : memref<3x80x128xf32, #tpu.memory_space<vmem>> -> memref<1x80x128xf32, #tpu.memory_space<vmem>>
    %dma_wait3A_119 = tpu.memref_squeeze %dma_wait3A_118 : memref<1x80x128xf32, #tpu.memory_space<vmem>> -> memref<80x128xf32, #tpu.memory_space<vmem>>
    %dma_wait3A_120 = arith.constant 0 : i32
    %dma_wait3A_121 = tpu.memref_slice %arg2[%add3A_108, %dma_wait3A_120] : memref<320000x128xf32, #tpu.memory_space<hbm>> -> memref<80x128xf32, #tpu.memory_space<hbm>>
    tpu.wait_dma2 semaphore(%arg8 : memref<!tpu.dma_semaphore, #tpu.memory_space<semaphore_mem>>) src(%dma_wait3A_121 : memref<80x128xf32, #tpu.memory_space<hbm>>) dst(%dma_wait3A_119 : memref<80x128xf32, #tpu.memory_space<vmem>>)
    %dma_start3A_122 = arith.constant 0 : i32
    %dma_start3A_123 = arith.constant 123 : i32
    %dma_start3A_124 = arith.constant 0 : i32
    %dma_start3A_125 = arith.constant 0 : i32
    %dma_start3A_126 = tpu.memref_slice %arg6[%dma_start3A_122, %dma_start3A_124, %dma_start3A_125] : memref<3x80x128xf32, #tpu.memory_space<vmem>> -> memref<1x80x128xf32, #tpu.memory_space<vmem>>
    %dma_start3A_127 = tpu.memref_squeeze %dma_start3A_126 : memref<1x80x128xf32, #tpu.memory_space<vmem>> -> memref<80x128xf32, #tpu.memory_space<vmem>>
    %dma_start3A_128 = arith.constant 0 : i32
    %dma_start3A_129 = tpu.memref_slice %arg5[%dma_start3A_123, %dma_start3A_128] : memref<125x80xi32, #tpu.memory_space<vmem>> -> memref<1x80xi32, #tpu.memory_space<vmem>>
    %dma_start3A_130 = tpu.memref_squeeze %dma_start3A_129 : memref<1x80xi32, #tpu.memory_space<vmem>> -> memref<80xi32, #tpu.memory_space<vmem>>
    %dma_start3A_131 = arith.constant 0 : i32
    %dma_start3A_132 = arith.constant 0 : i32
    %dma_start3A_133 = tpu.memref_slice %arg7[%dma_start3A_131, %dma_start3A_132] : memref<10240x128xf32, #tpu.memory_space<vmem_shared>> -> memref<10240x128xf32, #tpu.memory_space<vmem_shared>>
    tpu.enqueue_indirect_dma source(%dma_start3A_127 : memref<80x128xf32, #tpu.memory_space<vmem>>) target(%dma_start3A_133 : memref<10240x128xf32, #tpu.memory_space<vmem_shared>>) offsets(%dma_start3A_130 : memref<80xi32, #tpu.memory_space<vmem>>) semaphore(%arg11 : memref<!tpu.dma_semaphore, #tpu.memory_space<semaphore_mem>>) {add = true}
    %add3A_134 = arith.constant 9920 : i32
    %add3A_135 = arith.addi %mul3A_2, %add3A_134 : i32
    %dma_wait3A_136 = arith.constant 1 : i32
    %dma_wait3A_137 = arith.constant 0 : i32
    %dma_wait3A_138 = arith.constant 0 : i32
    %dma_wait3A_139 = tpu.memref_slice %arg6[%dma_wait3A_136, %dma_wait3A_137, %dma_wait3A_138] : memref<3x80x128xf32, #tpu.memory_space<vmem>> -> memref<1x80x128xf32, #tpu.memory_space<vmem>>
    %dma_wait3A_140 = tpu.memref_squeeze %dma_wait3A_139 : memref<1x80x128xf32, #tpu.memory_space<vmem>> -> memref<80x128xf32, #tpu.memory_space<vmem>>
    %dma_wait3A_141 = arith.constant 0 : i32
    %dma_wait3A_142 = tpu.memref_slice %arg2[%add3A_135, %dma_wait3A_141] : memref<320000x128xf32, #tpu.memory_space<hbm>> -> memref<80x128xf32, #tpu.memory_space<hbm>>
    %dma_wait3A_143 = arith.constant 0 : i32
    %dma_wait3A_144 = arith.constant 0 : i32
    %dma_wait3A_145 = tpu.memref_slice %arg6[%dma_wait3A_136, %dma_wait3A_143, %dma_wait3A_144] : memref<3x80x128xf32, #tpu.memory_space<vmem>> -> memref<1x80x128xf32, #tpu.memory_space<vmem>>
    %dma_wait3A_146 = tpu.memref_squeeze %dma_wait3A_145 : memref<1x80x128xf32, #tpu.memory_space<vmem>> -> memref<80x128xf32, #tpu.memory_space<vmem>>
    %dma_wait3A_147 = arith.constant 0 : i32
    %dma_wait3A_148 = tpu.memref_slice %arg2[%add3A_135, %dma_wait3A_147] : memref<320000x128xf32, #tpu.memory_space<hbm>> -> memref<80x128xf32, #tpu.memory_space<hbm>>
    tpu.wait_dma2 semaphore(%arg9 : memref<!tpu.dma_semaphore, #tpu.memory_space<semaphore_mem>>) src(%dma_wait3A_148 : memref<80x128xf32, #tpu.memory_space<hbm>>) dst(%dma_wait3A_146 : memref<80x128xf32, #tpu.memory_space<vmem>>)
    %dma_start3A_149 = arith.constant 1 : i32
    %dma_start3A_150 = arith.constant 124 : i32
    %dma_start3A_151 = arith.constant 0 : i32
    %dma_start3A_152 = arith.constant 0 : i32
    %dma_start3A_153 = tpu.memref_slice %arg6[%dma_start3A_149, %dma_start3A_151, %dma_start3A_152] : memref<3x80x128xf32, #tpu.memory_space<vmem>> -> memref<1x80x128xf32, #tpu.memory_space<vmem>>
    %dma_start3A_154 = tpu.memref_squeeze %dma_start3A_153 : memref<1x80x128xf32, #tpu.memory_space<vmem>> -> memref<80x128xf32, #tpu.memory_space<vmem>>
    %dma_start3A_155 = arith.constant 0 : i32
    %dma_start3A_156 = tpu.memref_slice %arg5[%dma_start3A_150, %dma_start3A_155] : memref<125x80xi32, #tpu.memory_space<vmem>> -> memref<1x80xi32, #tpu.memory_space<vmem>>
    %dma_start3A_157 = tpu.memref_squeeze %dma_start3A_156 : memref<1x80xi32, #tpu.memory_space<vmem>> -> memref<80xi32, #tpu.memory_space<vmem>>
    %dma_start3A_158 = arith.constant 0 : i32
    %dma_start3A_159 = arith.constant 0 : i32
    %dma_start3A_160 = tpu.memref_slice %arg7[%dma_start3A_158, %dma_start3A_159] : memref<10240x128xf32, #tpu.memory_space<vmem_shared>> -> memref<10240x128xf32, #tpu.memory_space<vmem_shared>>
    tpu.enqueue_indirect_dma source(%dma_start3A_154 : memref<80x128xf32, #tpu.memory_space<vmem>>) target(%dma_start3A_160 : memref<10240x128xf32, #tpu.memory_space<vmem_shared>>) offsets(%dma_start3A_157 : memref<80xi32, #tpu.memory_space<vmem>>) semaphore(%arg12 : memref<!tpu.dma_semaphore, #tpu.memory_space<semaphore_mem>>) {add = true}
    %dma_wait3A_161 = arith.constant 2 : i32
    %dma_wait3A_162 = arith.constant 122 : i32
    %dma_wait3A_163 = arith.constant 0 : i32
    %dma_wait3A_164 = arith.constant 0 : i32
    %dma_wait3A_165 = tpu.memref_slice %arg6[%dma_wait3A_161, %dma_wait3A_163, %dma_wait3A_164] : memref<3x80x128xf32, #tpu.memory_space<vmem>> -> memref<1x80x128xf32, #tpu.memory_space<vmem>>
    %dma_wait3A_166 = tpu.memref_squeeze %dma_wait3A_165 : memref<1x80x128xf32, #tpu.memory_space<vmem>> -> memref<80x128xf32, #tpu.memory_space<vmem>>
    %dma_wait3A_167 = arith.constant 0 : i32
    %dma_wait3A_168 = tpu.memref_slice %arg5[%dma_wait3A_162, %dma_wait3A_167] : memref<125x80xi32, #tpu.memory_space<vmem>> -> memref<1x80xi32, #tpu.memory_space<vmem>>
    %dma_wait3A_169 = tpu.memref_squeeze %dma_wait3A_168 : memref<1x80xi32, #tpu.memory_space<vmem>> -> memref<80xi32, #tpu.memory_space<vmem>>
    %dma_wait3A_170 = arith.constant 0 : i32
    %dma_wait3A_171 = arith.constant 0 : i32
    %dma_wait3A_172 = tpu.memref_slice %arg7[%dma_wait3A_170, %dma_wait3A_171] : memref<10240x128xf32, #tpu.memory_space<vmem_shared>> -> memref<10240x128xf32, #tpu.memory_space<vmem_shared>>
    tpu.wait_indirect_dma semaphore(%arg13 : memref<!tpu.dma_semaphore, #tpu.memory_space<semaphore_mem>>) src(%dma_wait3A_166 : memref<80x128xf32, #tpu.memory_space<vmem>>) dst(%dma_wait3A_172 : memref<10240x128xf32, #tpu.memory_space<vmem_shared>>)
    %dma_wait3A_173 = arith.constant 0 : i32
    %dma_wait3A_174 = arith.constant 123 : i32
    %dma_wait3A_175 = arith.constant 0 : i32
    %dma_wait3A_176 = arith.constant 0 : i32
    %dma_wait3A_177 = tpu.memref_slice %arg6[%dma_wait3A_173, %dma_wait3A_175, %dma_wait3A_176] : memref<3x80x128xf32, #tpu.memory_space<vmem>> -> memref<1x80x128xf32, #tpu.memory_space<vmem>>
    %dma_wait3A_178 = tpu.memref_squeeze %dma_wait3A_177 : memref<1x80x128xf32, #tpu.memory_space<vmem>> -> memref<80x128xf32, #tpu.memory_space<vmem>>
    %dma_wait3A_179 = arith.constant 0 : i32
    %dma_wait3A_180 = tpu.memref_slice %arg5[%dma_wait3A_174, %dma_wait3A_179] : memref<125x80xi32, #tpu.memory_space<vmem>> -> memref<1x80xi32, #tpu.memory_space<vmem>>
    %dma_wait3A_181 = tpu.memref_squeeze %dma_wait3A_180 : memref<1x80xi32, #tpu.memory_space<vmem>> -> memref<80xi32, #tpu.memory_space<vmem>>
    %dma_wait3A_182 = arith.constant 0 : i32
    %dma_wait3A_183 = arith.constant 0 : i32
    %dma_wait3A_184 = tpu.memref_slice %arg7[%dma_wait3A_182, %dma_wait3A_183] : memref<10240x128xf32, #tpu.memory_space<vmem_shared>> -> memref<10240x128xf32, #tpu.memory_space<vmem_shared>>
    tpu.wait_indirect_dma semaphore(%arg11 : memref<!tpu.dma_semaphore, #tpu.memory_space<semaphore_mem>>) src(%dma_wait3A_178 : memref<80x128xf32, #tpu.memory_space<vmem>>) dst(%dma_wait3A_184 : memref<10240x128xf32, #tpu.memory_space<vmem_shared>>)
    %dma_wait3A_185 = arith.constant 1 : i32
    %dma_wait3A_186 = arith.constant 124 : i32
    %dma_wait3A_187 = arith.constant 0 : i32
    %dma_wait3A_188 = arith.constant 0 : i32
    %dma_wait3A_189 = tpu.memref_slice %arg6[%dma_wait3A_185, %dma_wait3A_187, %dma_wait3A_188] : memref<3x80x128xf32, #tpu.memory_space<vmem>> -> memref<1x80x128xf32, #tpu.memory_space<vmem>>
    %dma_wait3A_190 = tpu.memref_squeeze %dma_wait3A_189 : memref<1x80x128xf32, #tpu.memory_space<vmem>> -> memref<80x128xf32, #tpu.memory_space<vmem>>
    %dma_wait3A_191 = arith.constant 0 : i32
    %dma_wait3A_192 = tpu.memref_slice %arg5[%dma_wait3A_186, %dma_wait3A_191] : memref<125x80xi32, #tpu.memory_space<vmem>> -> memref<1x80xi32, #tpu.memory_space<vmem>>
    %dma_wait3A_193 = tpu.memref_squeeze %dma_wait3A_192 : memref<1x80xi32, #tpu.memory_space<vmem>> -> memref<80xi32, #tpu.memory_space<vmem>>
    %dma_wait3A_194 = arith.constant 0 : i32
    %dma_wait3A_195 = arith.constant 0 : i32
    %dma_wait3A_196 = tpu.memref_slice %arg7[%dma_wait3A_194, %dma_wait3A_195] : memref<10240x128xf32, #tpu.memory_space<vmem_shared>> -> memref<10240x128xf32, #tpu.memory_space<vmem_shared>>
    tpu.wait_indirect_dma semaphore(%arg12 : memref<!tpu.dma_semaphore, #tpu.memory_space<semaphore_mem>>) src(%dma_wait3A_190 : memref<80x128xf32, #tpu.memory_space<vmem>>) dst(%dma_wait3A_196 : memref<10240x128xf32, #tpu.memory_space<vmem_shared>>)
    %barrier3A_197 = arith.constant 0 : index
    tpu.barrier barrier_id(%barrier3A_197)
    %add3A_198 = arith.constant 0 : i32
    %add3A_199 = arith.addi %mul3A_58, %add3A_198 : i32
    %run_scoped3A_200 = arith.constant 0 : i32
    "tpu.region"() ({
      %run_scoped3A_574 = tpu.sem_alloc : memref<!tpu.dma_semaphore, #tpu.memory_space<semaphore_mem>>
      %dma_start3A_575 = arith.constant 0 : i32
      %dma_start3A_576 = arith.constant 0 : i32
      %dma_start3A_577 = tpu.memref_slice %arg6[%run_scoped3A_200, %dma_start3A_575, %dma_start3A_576] : memref<3x80x128xf32, #tpu.memory_space<vmem>> -> memref<1x80x128xf32, #tpu.memory_space<vmem>>
      %dma_start3A_578 = tpu.memref_squeeze %dma_start3A_577 : memref<1x80x128xf32, #tpu.memory_space<vmem>> -> memref<80x128xf32, #tpu.memory_space<vmem>>
      %dma_start3A_579 = arith.constant 0 : i32
      %dma_start3A_580 = tpu.memref_slice %arg7[%add3A_199, %dma_start3A_579] : memref<10240x128xf32, #tpu.memory_space<vmem_shared>> -> memref<80x128xf32, #tpu.memory_space<vmem_shared>>
      %dma_start3A_581 = arith.constant 0 : i32
      %dma_start3A_582 = arith.constant 0 : i32
      %dma_start3A_583 = tpu.memref_slice %arg6[%run_scoped3A_200, %dma_start3A_581, %dma_start3A_582] : memref<3x80x128xf32, #tpu.memory_space<vmem>> -> memref<1x80x128xf32, #tpu.memory_space<vmem>>
      %dma_start3A_584 = tpu.memref_squeeze %dma_start3A_583 : memref<1x80x128xf32, #tpu.memory_space<vmem>> -> memref<80x128xf32, #tpu.memory_space<vmem>>
      %dma_start3A_585 = arith.constant 0 : i32
      %dma_start3A_586 = tpu.memref_slice %arg7[%add3A_199, %dma_start3A_585] : memref<10240x128xf32, #tpu.memory_space<vmem_shared>> -> memref<80x128xf32, #tpu.memory_space<vmem_shared>>
      tpu.enqueue_dma source(%dma_start3A_586 : memref<80x128xf32, #tpu.memory_space<vmem_shared>>) target(%dma_start3A_584 : memref<80x128xf32, #tpu.memory_space<vmem>>) target_semaphore(%run_scoped3A_574 : memref<!tpu.dma_semaphore, #tpu.memory_space<semaphore_mem>>)
      %dma_wait3A_587 = arith.constant 0 : i32
      %dma_wait3A_588 = arith.constant 0 : i32
      %dma_wait3A_589 = tpu.memref_slice %arg6[%run_scoped3A_200, %dma_wait3A_587, %dma_wait3A_588] : memref<3x80x128xf32, #tpu.memory_space<vmem>> -> memref<1x80x128xf32, #tpu.memory_space<vmem>>
      %dma_wait3A_590 = tpu.memref_squeeze %dma_wait3A_589 : memref<1x80x128xf32, #tpu.memory_space<vmem>> -> memref<80x128xf32, #tpu.memory_space<vmem>>
      %dma_wait3A_591 = arith.constant 0 : i32
      %dma_wait3A_592 = tpu.memref_slice %arg7[%add3A_199, %dma_wait3A_591] : memref<10240x128xf32, #tpu.memory_space<vmem_shared>> -> memref<80x128xf32, #tpu.memory_space<vmem_shared>>
      %dma_wait3A_593 = arith.constant 0 : i32
      %dma_wait3A_594 = arith.constant 0 : i32
      %dma_wait3A_595 = tpu.memref_slice %arg6[%run_scoped3A_200, %dma_wait3A_593, %dma_wait3A_594] : memref<3x80x128xf32, #tpu.memory_space<vmem>> -> memref<1x80x128xf32, #tpu.memory_space<vmem>>
      %dma_wait3A_596 = tpu.memref_squeeze %dma_wait3A_595 : memref<1x80x128xf32, #tpu.memory_space<vmem>> -> memref<80x128xf32, #tpu.memory_space<vmem>>
      %dma_wait3A_597 = arith.constant 0 : i32
      %dma_wait3A_598 = tpu.memref_slice %arg7[%add3A_199, %dma_wait3A_597] : memref<10240x128xf32, #tpu.memory_space<vmem_shared>> -> memref<80x128xf32, #tpu.memory_space<vmem_shared>>
      tpu.wait_dma2 semaphore(%run_scoped3A_574 : memref<!tpu.dma_semaphore, #tpu.memory_space<semaphore_mem>>) src(%dma_wait3A_598 : memref<80x128xf32, #tpu.memory_space<vmem_shared>>) dst(%dma_wait3A_596 : memref<80x128xf32, #tpu.memory_space<vmem>>)
      tpu.yield
    }) : () -> ()
    %dma_start3A_201 = arith.constant 0 : i32
    %dma_start3A_202 = arith.constant 0 : i32
    %dma_start3A_203 = arith.constant 0 : i32
    %dma_start3A_204 = tpu.memref_slice %arg6[%dma_start3A_201, %dma_start3A_202, %dma_start3A_203] : memref<3x80x128xf32, #tpu.memory_space<vmem>> -> memref<1x80x128xf32, #tpu.memory_space<vmem>>
    %dma_start3A_205 = tpu.memref_squeeze %dma_start3A_204 : memref<1x80x128xf32, #tpu.memory_space<vmem>> -> memref<80x128xf32, #tpu.memory_space<vmem>>
    %dma_start3A_206 = arith.constant 0 : i32
    %dma_start3A_207 = arith.constant 0 : i32
    %dma_start3A_208 = tpu.memref_slice %arg4[%arg0, %dma_start3A_206, %dma_start3A_207] : memref<2x10240x128xf32, #tpu.memory_space<hbm>> -> memref<1x10240x128xf32, #tpu.memory_space<hbm>>
    %dma_start3A_209 = tpu.memref_squeeze %dma_start3A_208 : memref<1x10240x128xf32, #tpu.memory_space<hbm>> -> memref<10240x128xf32, #tpu.memory_space<hbm>>
    %dma_start3A_210 = arith.constant 0 : i32
    %dma_start3A_211 = tpu.memref_slice %dma_start3A_209[%add3A_199, %dma_start3A_210] : memref<10240x128xf32, #tpu.memory_space<hbm>> -> memref<80x128xf32, #tpu.memory_space<hbm>>
    %dma_start3A_212 = arith.constant 0 : i32
    %dma_start3A_213 = arith.constant 0 : i32
    %dma_start3A_214 = tpu.memref_slice %arg4[%arg0, %dma_start3A_212, %dma_start3A_213] : memref<2x10240x128xf32, #tpu.memory_space<hbm>> -> memref<1x10240x128xf32, #tpu.memory_space<hbm>>
    %dma_start3A_215 = tpu.memref_squeeze %dma_start3A_214 : memref<1x10240x128xf32, #tpu.memory_space<hbm>> -> memref<10240x128xf32, #tpu.memory_space<hbm>>
    %dma_start3A_216 = arith.constant 0 : i32
    %dma_start3A_217 = tpu.memref_slice %dma_start3A_215[%add3A_199, %dma_start3A_216] : memref<10240x128xf32, #tpu.memory_space<hbm>> -> memref<80x128xf32, #tpu.memory_space<hbm>>
    %dma_start3A_218 = arith.constant 0 : i32
    %dma_start3A_219 = arith.constant 0 : i32
    %dma_start3A_220 = tpu.memref_slice %arg6[%dma_start3A_201, %dma_start3A_218, %dma_start3A_219] : memref<3x80x128xf32, #tpu.memory_space<vmem>> -> memref<1x80x128xf32, #tpu.memory_space<vmem>>
    %dma_start3A_221 = tpu.memref_squeeze %dma_start3A_220 : memref<1x80x128xf32, #tpu.memory_space<vmem>> -> memref<80x128xf32, #tpu.memory_space<vmem>>
    tpu.enqueue_dma source(%dma_start3A_221 : memref<80x128xf32, #tpu.memory_space<vmem>>) target(%dma_start3A_217 : memref<80x128xf32, #tpu.memory_space<hbm>>) target_semaphore(%arg8 : memref<!tpu.dma_semaphore, #tpu.memory_space<semaphore_mem>>)
    %add3A_222 = arith.constant 80 : i32
    %add3A_223 = arith.addi %mul3A_58, %add3A_222 : i32
    %run_scoped3A_224 = arith.constant 1 : i32
    "tpu.region"() ({
      %run_scoped3A_574 = tpu.sem_alloc : memref<!tpu.dma_semaphore, #tpu.memory_space<semaphore_mem>>
      %dma_start3A_575 = arith.constant 0 : i32
      %dma_start3A_576 = arith.constant 0 : i32
      %dma_start3A_577 = tpu.memref_slice %arg6[%run_scoped3A_224, %dma_start3A_575, %dma_start3A_576] : memref<3x80x128xf32, #tpu.memory_space<vmem>> -> memref<1x80x128xf32, #tpu.memory_space<vmem>>
      %dma_start3A_578 = tpu.memref_squeeze %dma_start3A_577 : memref<1x80x128xf32, #tpu.memory_space<vmem>> -> memref<80x128xf32, #tpu.memory_space<vmem>>
      %dma_start3A_579 = arith.constant 0 : i32
      %dma_start3A_580 = tpu.memref_slice %arg7[%add3A_223, %dma_start3A_579] : memref<10240x128xf32, #tpu.memory_space<vmem_shared>> -> memref<80x128xf32, #tpu.memory_space<vmem_shared>>
      %dma_start3A_581 = arith.constant 0 : i32
      %dma_start3A_582 = arith.constant 0 : i32
      %dma_start3A_583 = tpu.memref_slice %arg6[%run_scoped3A_224, %dma_start3A_581, %dma_start3A_582] : memref<3x80x128xf32, #tpu.memory_space<vmem>> -> memref<1x80x128xf32, #tpu.memory_space<vmem>>
      %dma_start3A_584 = tpu.memref_squeeze %dma_start3A_583 : memref<1x80x128xf32, #tpu.memory_space<vmem>> -> memref<80x128xf32, #tpu.memory_space<vmem>>
      %dma_start3A_585 = arith.constant 0 : i32
      %dma_start3A_586 = tpu.memref_slice %arg7[%add3A_223, %dma_start3A_585] : memref<10240x128xf32, #tpu.memory_space<vmem_shared>> -> memref<80x128xf32, #tpu.memory_space<vmem_shared>>
      tpu.enqueue_dma source(%dma_start3A_586 : memref<80x128xf32, #tpu.memory_space<vmem_shared>>) target(%dma_start3A_584 : memref<80x128xf32, #tpu.memory_space<vmem>>) target_semaphore(%run_scoped3A_574 : memref<!tpu.dma_semaphore, #tpu.memory_space<semaphore_mem>>)
      %dma_wait3A_587 = arith.constant 0 : i32
      %dma_wait3A_588 = arith.constant 0 : i32
      %dma_wait3A_589 = tpu.memref_slice %arg6[%run_scoped3A_224, %dma_wait3A_587, %dma_wait3A_588] : memref<3x80x128xf32, #tpu.memory_space<vmem>> -> memref<1x80x128xf32, #tpu.memory_space<vmem>>
      %dma_wait3A_590 = tpu.memref_squeeze %dma_wait3A_589 : memref<1x80x128xf32, #tpu.memory_space<vmem>> -> memref<80x128xf32, #tpu.memory_space<vmem>>
      %dma_wait3A_591 = arith.constant 0 : i32
      %dma_wait3A_592 = tpu.memref_slice %arg7[%add3A_223, %dma_wait3A_591] : memref<10240x128xf32, #tpu.memory_space<vmem_shared>> -> memref<80x128xf32, #tpu.memory_space<vmem_shared>>
      %dma_wait3A_593 = arith.constant 0 : i32
      %dma_wait3A_594 = arith.constant 0 : i32
      %dma_wait3A_595 = tpu.memref_slice %arg6[%run_scoped3A_224, %dma_wait3A_593, %dma_wait3A_594] : memref<3x80x128xf32, #tpu.memory_space<vmem>> -> memref<1x80x128xf32, #tpu.memory_space<vmem>>
      %dma_wait3A_596 = tpu.memref_squeeze %dma_wait3A_595 : memref<1x80x128xf32, #tpu.memory_space<vmem>> -> memref<80x128xf32, #tpu.memory_space<vmem>>
      %dma_wait3A_597 = arith.constant 0 : i32
      %dma_wait3A_598 = tpu.memref_slice %arg7[%add3A_223, %dma_wait3A_597] : memref<10240x128xf32, #tpu.memory_space<vmem_shared>> -> memref<80x128xf32, #tpu.memory_space<vmem_shared>>
      tpu.wait_dma2 semaphore(%run_scoped3A_574 : memref<!tpu.dma_semaphore, #tpu.memory_space<semaphore_mem>>) src(%dma_wait3A_598 : memref<80x128xf32, #tpu.memory_space<vmem_shared>>) dst(%dma_wait3A_596 : memref<80x128xf32, #tpu.memory_space<vmem>>)
      tpu.yield
    }) : () -> ()
    %dma_start3A_225 = arith.constant 1 : i32
    %dma_start3A_226 = arith.constant 0 : i32
    %dma_start3A_227 = arith.constant 0 : i32
    %dma_start3A_228 = tpu.memref_slice %arg6[%dma_start3A_225, %dma_start3A_226, %dma_start3A_227] : memref<3x80x128xf32, #tpu.memory_space<vmem>> -> memref<1x80x128xf32, #tpu.memory_space<vmem>>
    %dma_start3A_229 = tpu.memref_squeeze %dma_start3A_228 : memref<1x80x128xf32, #tpu.memory_space<vmem>> -> memref<80x128xf32, #tpu.memory_space<vmem>>
    %dma_start3A_230 = arith.constant 0 : i32
    %dma_start3A_231 = arith.constant 0 : i32
    %dma_start3A_232 = tpu.memref_slice %arg4[%arg0, %dma_start3A_230, %dma_start3A_231] : memref<2x10240x128xf32, #tpu.memory_space<hbm>> -> memref<1x10240x128xf32, #tpu.memory_space<hbm>>
    %dma_start3A_233 = tpu.memref_squeeze %dma_start3A_232 : memref<1x10240x128xf32, #tpu.memory_space<hbm>> -> memref<10240x128xf32, #tpu.memory_space<hbm>>
    %dma_start3A_234 = arith.constant 0 : i32
    %dma_start3A_235 = tpu.memref_slice %dma_start3A_233[%add3A_223, %dma_start3A_234] : memref<10240x128xf32, #tpu.memory_space<hbm>> -> memref<80x128xf32, #tpu.memory_space<hbm>>
    %dma_start3A_236 = arith.constant 0 : i32
    %dma_start3A_237 = arith.constant 0 : i32
    %dma_start3A_238 = tpu.memref_slice %arg4[%arg0, %dma_start3A_236, %dma_start3A_237] : memref<2x10240x128xf32, #tpu.memory_space<hbm>> -> memref<1x10240x128xf32, #tpu.memory_space<hbm>>
    %dma_start3A_239 = tpu.memref_squeeze %dma_start3A_238 : memref<1x10240x128xf32, #tpu.memory_space<hbm>> -> memref<10240x128xf32, #tpu.memory_space<hbm>>
    %dma_start3A_240 = arith.constant 0 : i32
    %dma_start3A_241 = tpu.memref_slice %dma_start3A_239[%add3A_223, %dma_start3A_240] : memref<10240x128xf32, #tpu.memory_space<hbm>> -> memref<80x128xf32, #tpu.memory_space<hbm>>
    %dma_start3A_242 = arith.constant 0 : i32
    %dma_start3A_243 = arith.constant 0 : i32
    %dma_start3A_244 = tpu.memref_slice %arg6[%dma_start3A_225, %dma_start3A_242, %dma_start3A_243] : memref<3x80x128xf32, #tpu.memory_space<vmem>> -> memref<1x80x128xf32, #tpu.memory_space<vmem>>
    %dma_start3A_245 = tpu.memref_squeeze %dma_start3A_244 : memref<1x80x128xf32, #tpu.memory_space<vmem>> -> memref<80x128xf32, #tpu.memory_space<vmem>>
    tpu.enqueue_dma source(%dma_start3A_245 : memref<80x128xf32, #tpu.memory_space<vmem>>) target(%dma_start3A_241 : memref<80x128xf32, #tpu.memory_space<hbm>>) target_semaphore(%arg9 : memref<!tpu.dma_semaphore, #tpu.memory_space<semaphore_mem>>)
    %add3A_246 = arith.constant 160 : i32
    %add3A_247 = arith.addi %mul3A_58, %add3A_246 : i32
    %run_scoped3A_248 = arith.constant 2 : i32
    "tpu.region"() ({
      %run_scoped3A_574 = tpu.sem_alloc : memref<!tpu.dma_semaphore, #tpu.memory_space<semaphore_mem>>
      %dma_start3A_575 = arith.constant 0 : i32
      %dma_start3A_576 = arith.constant 0 : i32
      %dma_start3A_577 = tpu.memref_slice %arg6[%run_scoped3A_248, %dma_start3A_575, %dma_start3A_576] : memref<3x80x128xf32, #tpu.memory_space<vmem>> -> memref<1x80x128xf32, #tpu.memory_space<vmem>>
      %dma_start3A_578 = tpu.memref_squeeze %dma_start3A_577 : memref<1x80x128xf32, #tpu.memory_space<vmem>> -> memref<80x128xf32, #tpu.memory_space<vmem>>
      %dma_start3A_579 = arith.constant 0 : i32
      %dma_start3A_580 = tpu.memref_slice %arg7[%add3A_247, %dma_start3A_579] : memref<10240x128xf32, #tpu.memory_space<vmem_shared>> -> memref<80x128xf32, #tpu.memory_space<vmem_shared>>
      %dma_start3A_581 = arith.constant 0 : i32
      %dma_start3A_582 = arith.constant 0 : i32
      %dma_start3A_583 = tpu.memref_slice %arg6[%run_scoped3A_248, %dma_start3A_581, %dma_start3A_582] : memref<3x80x128xf32, #tpu.memory_space<vmem>> -> memref<1x80x128xf32, #tpu.memory_space<vmem>>
      %dma_start3A_584 = tpu.memref_squeeze %dma_start3A_583 : memref<1x80x128xf32, #tpu.memory_space<vmem>> -> memref<80x128xf32, #tpu.memory_space<vmem>>
      %dma_start3A_585 = arith.constant 0 : i32
      %dma_start3A_586 = tpu.memref_slice %arg7[%add3A_247, %dma_start3A_585] : memref<10240x128xf32, #tpu.memory_space<vmem_shared>> -> memref<80x128xf32, #tpu.memory_space<vmem_shared>>
      tpu.enqueue_dma source(%dma_start3A_586 : memref<80x128xf32, #tpu.memory_space<vmem_shared>>) target(%dma_start3A_584 : memref<80x128xf32, #tpu.memory_space<vmem>>) target_semaphore(%run_scoped3A_574 : memref<!tpu.dma_semaphore, #tpu.memory_space<semaphore_mem>>)
      %dma_wait3A_587 = arith.constant 0 : i32
      %dma_wait3A_588 = arith.constant 0 : i32
      %dma_wait3A_589 = tpu.memref_slice %arg6[%run_scoped3A_248, %dma_wait3A_587, %dma_wait3A_588] : memref<3x80x128xf32, #tpu.memory_space<vmem>> -> memref<1x80x128xf32, #tpu.memory_space<vmem>>
      %dma_wait3A_590 = tpu.memref_squeeze %dma_wait3A_589 : memref<1x80x128xf32, #tpu.memory_space<vmem>> -> memref<80x128xf32, #tpu.memory_space<vmem>>
      %dma_wait3A_591 = arith.constant 0 : i32
      %dma_wait3A_592 = tpu.memref_slice %arg7[%add3A_247, %dma_wait3A_591] : memref<10240x128xf32, #tpu.memory_space<vmem_shared>> -> memref<80x128xf32, #tpu.memory_space<vmem_shared>>
      %dma_wait3A_593 = arith.constant 0 : i32
      %dma_wait3A_594 = arith.constant 0 : i32
      %dma_wait3A_595 = tpu.memref_slice %arg6[%run_scoped3A_248, %dma_wait3A_593, %dma_wait3A_594] : memref<3x80x128xf32, #tpu.memory_space<vmem>> -> memref<1x80x128xf32, #tpu.memory_space<vmem>>
      %dma_wait3A_596 = tpu.memref_squeeze %dma_wait3A_595 : memref<1x80x128xf32, #tpu.memory_space<vmem>> -> memref<80x128xf32, #tpu.memory_space<vmem>>
      %dma_wait3A_597 = arith.constant 0 : i32
      %dma_wait3A_598 = tpu.memref_slice %arg7[%add3A_247, %dma_wait3A_597] : memref<10240x128xf32, #tpu.memory_space<vmem_shared>> -> memref<80x128xf32, #tpu.memory_space<vmem_shared>>
      tpu.wait_dma2 semaphore(%run_scoped3A_574 : memref<!tpu.dma_semaphore, #tpu.memory_space<semaphore_mem>>) src(%dma_wait3A_598 : memref<80x128xf32, #tpu.memory_space<vmem_shared>>) dst(%dma_wait3A_596 : memref<80x128xf32, #tpu.memory_space<vmem>>)
      tpu.yield
    }) : () -> ()
    %dma_start3A_249 = arith.constant 2 : i32
    %dma_start3A_250 = arith.constant 0 : i32
    %dma_start3A_251 = arith.constant 0 : i32
    %dma_start3A_252 = tpu.memref_slice %arg6[%dma_start3A_249, %dma_start3A_250, %dma_start3A_251] : memref<3x80x128xf32, #tpu.memory_space<vmem>> -> memref<1x80x128xf32, #tpu.memory_space<vmem>>
    %dma_start3A_253 = tpu.memref_squeeze %dma_start3A_252 : memref<1x80x128xf32, #tpu.memory_space<vmem>> -> memref<80x128xf32, #tpu.memory_space<vmem>>
    %dma_start3A_254 = arith.constant 0 : i32
    %dma_start3A_255 = arith.constant 0 : i32
    %dma_start3A_256 = tpu.memref_slice %arg4[%arg0, %dma_start3A_254, %dma_start3A_255] : memref<2x10240x128xf32, #tpu.memory_space<hbm>> -> memref<1x10240x128xf32, #tpu.memory_space<hbm>>
    %dma_start3A_257 = tpu.memref_squeeze %dma_start3A_256 : memref<1x10240x128xf32, #tpu.memory_space<hbm>> -> memref<10240x128xf32, #tpu.memory_space<hbm>>
    %dma_start3A_258 = arith.constant 0 : i32
    %dma_start3A_259 = tpu.memref_slice %dma_start3A_257[%add3A_247, %dma_start3A_258] : memref<10240x128xf32, #tpu.memory_space<hbm>> -> memref<80x128xf32, #tpu.memory_space<hbm>>
    %dma_start3A_260 = arith.constant 0 : i32
    %dma_start3A_261 = arith.constant 0 : i32
    %dma_start3A_262 = tpu.memref_slice %arg4[%arg0, %dma_start3A_260, %dma_start3A_261] : memref<2x10240x128xf32, #tpu.memory_space<hbm>> -> memref<1x10240x128xf32, #tpu.memory_space<hbm>>
    %dma_start3A_263 = tpu.memref_squeeze %dma_start3A_262 : memref<1x10240x128xf32, #tpu.memory_space<hbm>> -> memref<10240x128xf32, #tpu.memory_space<hbm>>
    %dma_start3A_264 = arith.constant 0 : i32
    %dma_start3A_265 = tpu.memref_slice %dma_start3A_263[%add3A_247, %dma_start3A_264] : memref<10240x128xf32, #tpu.memory_space<hbm>> -> memref<80x128xf32, #tpu.memory_space<hbm>>
    %dma_start3A_266 = arith.constant 0 : i32
    %dma_start3A_267 = arith.constant 0 : i32
    %dma_start3A_268 = tpu.memref_slice %arg6[%dma_start3A_249, %dma_start3A_266, %dma_start3A_267] : memref<3x80x128xf32, #tpu.memory_space<vmem>> -> memref<1x80x128xf32, #tpu.memory_space<vmem>>
    %dma_start3A_269 = tpu.memref_squeeze %dma_start3A_268 : memref<1x80x128xf32, #tpu.memory_space<vmem>> -> memref<80x128xf32, #tpu.memory_space<vmem>>
    tpu.enqueue_dma source(%dma_start3A_269 : memref<80x128xf32, #tpu.memory_space<vmem>>) target(%dma_start3A_265 : memref<80x128xf32, #tpu.memory_space<hbm>>) target_semaphore(%arg10 : memref<!tpu.dma_semaphore, #tpu.memory_space<semaphore_mem>>)
    %add3A_270 = arith.constant 240 : i32
    %add3A_271 = arith.addi %mul3A_58, %add3A_270 : i32
    %add3A_272 = arith.constant 0 : i32
    %add3A_273 = arith.addi %mul3A_58, %add3A_272 : i32
    %dma_wait3A_274 = arith.constant 0 : i32
    %dma_wait3A_275 = arith.constant 0 : i32
    %dma_wait3A_276 = arith.constant 0 : i32
    %dma_wait3A_277 = tpu.memref_slice %arg6[%dma_wait3A_274, %dma_wait3A_275, %dma_wait3A_276] : memref<3x80x128xf32, #tpu.memory_space<vmem>> -> memref<1x80x128xf32, #tpu.memory_space<vmem>>
    %dma_wait3A_278 = tpu.memref_squeeze %dma_wait3A_277 : memref<1x80x128xf32, #tpu.memory_space<vmem>> -> memref<80x128xf32, #tpu.memory_space<vmem>>
    %dma_wait3A_279 = arith.constant 0 : i32
    %dma_wait3A_280 = arith.constant 0 : i32
    %dma_wait3A_281 = tpu.memref_slice %arg4[%arg0, %dma_wait3A_279, %dma_wait3A_280] : memref<2x10240x128xf32, #tpu.memory_space<hbm>> -> memref<1x10240x128xf32, #tpu.memory_space<hbm>>
    %dma_wait3A_282 = tpu.memref_squeeze %dma_wait3A_281 : memref<1x10240x128xf32, #tpu.memory_space<hbm>> -> memref<10240x128xf32, #tpu.memory_space<hbm>>
    %dma_wait3A_283 = arith.constant 0 : i32
    %dma_wait3A_284 = tpu.memref_slice %dma_wait3A_282[%add3A_273, %dma_wait3A_283] : memref<10240x128xf32, #tpu.memory_space<hbm>> -> memref<80x128xf32, #tpu.memory_space<hbm>>
    %dma_wait3A_285 = arith.constant 0 : i32
    %dma_wait3A_286 = arith.constant 0 : i32
    %dma_wait3A_287 = tpu.memref_slice %arg4[%arg0, %dma_wait3A_285, %dma_wait3A_286] : memref<2x10240x128xf32, #tpu.memory_space<hbm>> -> memref<1x10240x128xf32, #tpu.memory_space<hbm>>
    %dma_wait3A_288 = tpu.memref_squeeze %dma_wait3A_287 : memref<1x10240x128xf32, #tpu.memory_space<hbm>> -> memref<10240x128xf32, #tpu.memory_space<hbm>>
    %dma_wait3A_289 = arith.constant 0 : i32
    %dma_wait3A_290 = tpu.memref_slice %dma_wait3A_288[%add3A_273, %dma_wait3A_289] : memref<10240x128xf32, #tpu.memory_space<hbm>> -> memref<80x128xf32, #tpu.memory_space<hbm>>
    %dma_wait3A_291 = arith.constant 0 : i32
    %dma_wait3A_292 = arith.constant 0 : i32
    %dma_wait3A_293 = tpu.memref_slice %arg6[%dma_wait3A_274, %dma_wait3A_291, %dma_wait3A_292] : memref<3x80x128xf32, #tpu.memory_space<vmem>> -> memref<1x80x128xf32, #tpu.memory_space<vmem>>
    %dma_wait3A_294 = tpu.memref_squeeze %dma_wait3A_293 : memref<1x80x128xf32, #tpu.memory_space<vmem>> -> memref<80x128xf32, #tpu.memory_space<vmem>>
    tpu.wait_dma2 semaphore(%arg8 : memref<!tpu.dma_semaphore, #tpu.memory_space<semaphore_mem>>) src(%dma_wait3A_294 : memref<80x128xf32, #tpu.memory_space<vmem>>) dst(%dma_wait3A_290 : memref<80x128xf32, #tpu.memory_space<hbm>>)
    %run_scoped3A_295 = arith.constant 0 : i32
    "tpu.region"() ({
      %run_scoped3A_574 = tpu.sem_alloc : memref<!tpu.dma_semaphore, #tpu.memory_space<semaphore_mem>>
      %dma_start3A_575 = arith.constant 0 : i32
      %dma_start3A_576 = arith.constant 0 : i32
      %dma_start3A_577 = tpu.memref_slice %arg6[%run_scoped3A_295, %dma_start3A_575, %dma_start3A_576] : memref<3x80x128xf32, #tpu.memory_space<vmem>> -> memref<1x80x128xf32, #tpu.memory_space<vmem>>
      %dma_start3A_578 = tpu.memref_squeeze %dma_start3A_577 : memref<1x80x128xf32, #tpu.memory_space<vmem>> -> memref<80x128xf32, #tpu.memory_space<vmem>>
      %dma_start3A_579 = arith.constant 0 : i32
      %dma_start3A_580 = tpu.memref_slice %arg7[%add3A_271, %dma_start3A_579] : memref<10240x128xf32, #tpu.memory_space<vmem_shared>> -> memref<80x128xf32, #tpu.memory_space<vmem_shared>>
      %dma_start3A_581 = arith.constant 0 : i32
      %dma_start3A_582 = arith.constant 0 : i32
      %dma_start3A_583 = tpu.memref_slice %arg6[%run_scoped3A_295, %dma_start3A_581, %dma_start3A_582] : memref<3x80x128xf32, #tpu.memory_space<vmem>> -> memref<1x80x128xf32, #tpu.memory_space<vmem>>
      %dma_start3A_584 = tpu.memref_squeeze %dma_start3A_583 : memref<1x80x128xf32, #tpu.memory_space<vmem>> -> memref<80x128xf32, #tpu.memory_space<vmem>>
      %dma_start3A_585 = arith.constant 0 : i32
      %dma_start3A_586 = tpu.memref_slice %arg7[%add3A_271, %dma_start3A_585] : memref<10240x128xf32, #tpu.memory_space<vmem_shared>> -> memref<80x128xf32, #tpu.memory_space<vmem_shared>>
      tpu.enqueue_dma source(%dma_start3A_586 : memref<80x128xf32, #tpu.memory_space<vmem_shared>>) target(%dma_start3A_584 : memref<80x128xf32, #tpu.memory_space<vmem>>) target_semaphore(%run_scoped3A_574 : memref<!tpu.dma_semaphore, #tpu.memory_space<semaphore_mem>>)
      %dma_wait3A_587 = arith.constant 0 : i32
      %dma_wait3A_588 = arith.constant 0 : i32
      %dma_wait3A_589 = tpu.memref_slice %arg6[%run_scoped3A_295, %dma_wait3A_587, %dma_wait3A_588] : memref<3x80x128xf32, #tpu.memory_space<vmem>> -> memref<1x80x128xf32, #tpu.memory_space<vmem>>
      %dma_wait3A_590 = tpu.memref_squeeze %dma_wait3A_589 : memref<1x80x128xf32, #tpu.memory_space<vmem>> -> memref<80x128xf32, #tpu.memory_space<vmem>>
      %dma_wait3A_591 = arith.constant 0 : i32
      %dma_wait3A_592 = tpu.memref_slice %arg7[%add3A_271, %dma_wait3A_591] : memref<10240x128xf32, #tpu.memory_space<vmem_shared>> -> memref<80x128xf32, #tpu.memory_space<vmem_shared>>
      %dma_wait3A_593 = arith.constant 0 : i32
      %dma_wait3A_594 = arith.constant 0 : i32
      %dma_wait3A_595 = tpu.memref_slice %arg6[%run_scoped3A_295, %dma_wait3A_593, %dma_wait3A_594] : memref<3x80x128xf32, #tpu.memory_space<vmem>> -> memref<1x80x128xf32, #tpu.memory_space<vmem>>
      %dma_wait3A_596 = tpu.memref_squeeze %dma_wait3A_595 : memref<1x80x128xf32, #tpu.memory_space<vmem>> -> memref<80x128xf32, #tpu.memory_space<vmem>>
      %dma_wait3A_597 = arith.constant 0 : i32
      %dma_wait3A_598 = tpu.memref_slice %arg7[%add3A_271, %dma_wait3A_597] : memref<10240x128xf32, #tpu.memory_space<vmem_shared>> -> memref<80x128xf32, #tpu.memory_space<vmem_shared>>
      tpu.wait_dma2 semaphore(%run_scoped3A_574 : memref<!tpu.dma_semaphore, #tpu.memory_space<semaphore_mem>>) src(%dma_wait3A_598 : memref<80x128xf32, #tpu.memory_space<vmem_shared>>) dst(%dma_wait3A_596 : memref<80x128xf32, #tpu.memory_space<vmem>>)
      tpu.yield
    }) : () -> ()
    %dma_start3A_296 = arith.constant 0 : i32
    %dma_start3A_297 = arith.constant 0 : i32
    %dma_start3A_298 = arith.constant 0 : i32
    %dma_start3A_299 = tpu.memref_slice %arg6[%dma_start3A_296, %dma_start3A_297, %dma_start3A_298] : memref<3x80x128xf32, #tpu.memory_space<vmem>> -> memref<1x80x128xf32, #tpu.memory_space<vmem>>
    %dma_start3A_300 = tpu.memref_squeeze %dma_start3A_299 : memref<1x80x128xf32, #tpu.memory_space<vmem>> -> memref<80x128xf32, #tpu.memory_space<vmem>>
    %dma_start3A_301 = arith.constant 0 : i32
    %dma_start3A_302 = arith.constant 0 : i32
    %dma_start3A_303 = tpu.memref_slice %arg4[%arg0, %dma_start3A_301, %dma_start3A_302] : memref<2x10240x128xf32, #tpu.memory_space<hbm>> -> memref<1x10240x128xf32, #tpu.memory_space<hbm>>
    %dma_start3A_304 = tpu.memref_squeeze %dma_start3A_303 : memref<1x10240x128xf32, #tpu.memory_space<hbm>> -> memref<10240x128xf32, #tpu.memory_space<hbm>>
    %dma_start3A_305 = arith.constant 0 : i32
    %dma_start3A_306 = tpu.memref_slice %dma_start3A_304[%add3A_271, %dma_start3A_305] : memref<10240x128xf32, #tpu.memory_space<hbm>> -> memref<80x128xf32, #tpu.memory_space<hbm>>
    %dma_start3A_307 = arith.constant 0 : i32
    %dma_start3A_308 = arith.constant 0 : i32
    %dma_start3A_309 = tpu.memref_slice %arg4[%arg0, %dma_start3A_307, %dma_start3A_308] : memref<2x10240x128xf32, #tpu.memory_space<hbm>> -> memref<1x10240x128xf32, #tpu.memory_space<hbm>>
    %dma_start3A_310 = tpu.memref_squeeze %dma_start3A_309 : memref<1x10240x128xf32, #tpu.memory_space<hbm>> -> memref<10240x128xf32, #tpu.memory_space<hbm>>
    %dma_start3A_311 = arith.constant 0 : i32
    %dma_start3A_312 = tpu.memref_slice %dma_start3A_310[%add3A_271, %dma_start3A_311] : memref<10240x128xf32, #tpu.memory_space<hbm>> -> memref<80x128xf32, #tpu.memory_space<hbm>>
    %dma_start3A_313 = arith.constant 0 : i32
    %dma_start3A_314 = arith.constant 0 : i32
    %dma_start3A_315 = tpu.memref_slice %arg6[%dma_start3A_296, %dma_start3A_313, %dma_start3A_314] : memref<3x80x128xf32, #tpu.memory_space<vmem>> -> memref<1x80x128xf32, #tpu.memory_space<vmem>>
    %dma_start3A_316 = tpu.memref_squeeze %dma_start3A_315 : memref<1x80x128xf32, #tpu.memory_space<vmem>> -> memref<80x128xf32, #tpu.memory_space<vmem>>
    tpu.enqueue_dma source(%dma_start3A_316 : memref<80x128xf32, #tpu.memory_space<vmem>>) target(%dma_start3A_312 : memref<80x128xf32, #tpu.memory_space<hbm>>) target_semaphore(%arg8 : memref<!tpu.dma_semaphore, #tpu.memory_space<semaphore_mem>>)
    %add3A_317 = arith.constant 320 : i32
    %add3A_318 = arith.addi %mul3A_58, %add3A_317 : i32
    %add3A_319 = arith.constant 80 : i32
    %add3A_320 = arith.addi %mul3A_58, %add3A_319 : i32
    %dma_wait3A_321 = arith.constant 1 : i32
    %dma_wait3A_322 = arith.constant 0 : i32
    %dma_wait3A_323 = arith.constant 0 : i32
    %dma_wait3A_324 = tpu.memref_slice %arg6[%dma_wait3A_321, %dma_wait3A_322, %dma_wait3A_323] : memref<3x80x128xf32, #tpu.memory_space<vmem>> -> memref<1x80x128xf32, #tpu.memory_space<vmem>>
    %dma_wait3A_325 = tpu.memref_squeeze %dma_wait3A_324 : memref<1x80x128xf32, #tpu.memory_space<vmem>> -> memref<80x128xf32, #tpu.memory_space<vmem>>
    %dma_wait3A_326 = arith.constant 0 : i32
    %dma_wait3A_327 = arith.constant 0 : i32
    %dma_wait3A_328 = tpu.memref_slice %arg4[%arg0, %dma_wait3A_326, %dma_wait3A_327] : memref<2x10240x128xf32, #tpu.memory_space<hbm>> -> memref<1x10240x128xf32, #tpu.memory_space<hbm>>
    %dma_wait3A_329 = tpu.memref_squeeze %dma_wait3A_328 : memref<1x10240x128xf32, #tpu.memory_space<hbm>> -> memref<10240x128xf32, #tpu.memory_space<hbm>>
    %dma_wait3A_330 = arith.constant 0 : i32
    %dma_wait3A_331 = tpu.memref_slice %dma_wait3A_329[%add3A_320, %dma_wait3A_330] : memref<10240x128xf32, #tpu.memory_space<hbm>> -> memref<80x128xf32, #tpu.memory_space<hbm>>
    %dma_wait3A_332 = arith.constant 0 : i32
    %dma_wait3A_333 = arith.constant 0 : i32
    %dma_wait3A_334 = tpu.memref_slice %arg4[%arg0, %dma_wait3A_332, %dma_wait3A_333] : memref<2x10240x128xf32, #tpu.memory_space<hbm>> -> memref<1x10240x128xf32, #tpu.memory_space<hbm>>
    %dma_wait3A_335 = tpu.memref_squeeze %dma_wait3A_334 : memref<1x10240x128xf32, #tpu.memory_space<hbm>> -> memref<10240x128xf32, #tpu.memory_space<hbm>>
    %dma_wait3A_336 = arith.constant 0 : i32
    %dma_wait3A_337 = tpu.memref_slice %dma_wait3A_335[%add3A_320, %dma_wait3A_336] : memref<10240x128xf32, #tpu.memory_space<hbm>> -> memref<80x128xf32, #tpu.memory_space<hbm>>
    %dma_wait3A_338 = arith.constant 0 : i32
    %dma_wait3A_339 = arith.constant 0 : i32
    %dma_wait3A_340 = tpu.memref_slice %arg6[%dma_wait3A_321, %dma_wait3A_338, %dma_wait3A_339] : memref<3x80x128xf32, #tpu.memory_space<vmem>> -> memref<1x80x128xf32, #tpu.memory_space<vmem>>
    %dma_wait3A_341 = tpu.memref_squeeze %dma_wait3A_340 : memref<1x80x128xf32, #tpu.memory_space<vmem>> -> memref<80x128xf32, #tpu.memory_space<vmem>>
    tpu.wait_dma2 semaphore(%arg9 : memref<!tpu.dma_semaphore, #tpu.memory_space<semaphore_mem>>) src(%dma_wait3A_341 : memref<80x128xf32, #tpu.memory_space<vmem>>) dst(%dma_wait3A_337 : memref<80x128xf32, #tpu.memory_space<hbm>>)
    %run_scoped3A_342 = arith.constant 1 : i32
    "tpu.region"() ({
      %run_scoped3A_574 = tpu.sem_alloc : memref<!tpu.dma_semaphore, #tpu.memory_space<semaphore_mem>>
      %dma_start3A_575 = arith.constant 0 : i32
      %dma_start3A_576 = arith.constant 0 : i32
      %dma_start3A_577 = tpu.memref_slice %arg6[%run_scoped3A_342, %dma_start3A_575, %dma_start3A_576] : memref<3x80x128xf32, #tpu.memory_space<vmem>> -> memref<1x80x128xf32, #tpu.memory_space<vmem>>
      %dma_start3A_578 = tpu.memref_squeeze %dma_start3A_577 : memref<1x80x128xf32, #tpu.memory_space<vmem>> -> memref<80x128xf32, #tpu.memory_space<vmem>>
      %dma_start3A_579 = arith.constant 0 : i32
      %dma_start3A_580 = tpu.memref_slice %arg7[%add3A_318, %dma_start3A_579] : memref<10240x128xf32, #tpu.memory_space<vmem_shared>> -> memref<80x128xf32, #tpu.memory_space<vmem_shared>>
      %dma_start3A_581 = arith.constant 0 : i32
      %dma_start3A_582 = arith.constant 0 : i32
      %dma_start3A_583 = tpu.memref_slice %arg6[%run_scoped3A_342, %dma_start3A_581, %dma_start3A_582] : memref<3x80x128xf32, #tpu.memory_space<vmem>> -> memref<1x80x128xf32, #tpu.memory_space<vmem>>
      %dma_start3A_584 = tpu.memref_squeeze %dma_start3A_583 : memref<1x80x128xf32, #tpu.memory_space<vmem>> -> memref<80x128xf32, #tpu.memory_space<vmem>>
      %dma_start3A_585 = arith.constant 0 : i32
      %dma_start3A_586 = tpu.memref_slice %arg7[%add3A_318, %dma_start3A_585] : memref<10240x128xf32, #tpu.memory_space<vmem_shared>> -> memref<80x128xf32, #tpu.memory_space<vmem_shared>>
      tpu.enqueue_dma source(%dma_start3A_586 : memref<80x128xf32, #tpu.memory_space<vmem_shared>>) target(%dma_start3A_584 : memref<80x128xf32, #tpu.memory_space<vmem>>) target_semaphore(%run_scoped3A_574 : memref<!tpu.dma_semaphore, #tpu.memory_space<semaphore_mem>>)
      %dma_wait3A_587 = arith.constant 0 : i32
      %dma_wait3A_588 = arith.constant 0 : i32
      %dma_wait3A_589 = tpu.memref_slice %arg6[%run_scoped3A_342, %dma_wait3A_587, %dma_wait3A_588] : memref<3x80x128xf32, #tpu.memory_space<vmem>> -> memref<1x80x128xf32, #tpu.memory_space<vmem>>
      %dma_wait3A_590 = tpu.memref_squeeze %dma_wait3A_589 : memref<1x80x128xf32, #tpu.memory_space<vmem>> -> memref<80x128xf32, #tpu.memory_space<vmem>>
      %dma_wait3A_591 = arith.constant 0 : i32
      %dma_wait3A_592 = tpu.memref_slice %arg7[%add3A_318, %dma_wait3A_591] : memref<10240x128xf32, #tpu.memory_space<vmem_shared>> -> memref<80x128xf32, #tpu.memory_space<vmem_shared>>
      %dma_wait3A_593 = arith.constant 0 : i32
      %dma_wait3A_594 = arith.constant 0 : i32
      %dma_wait3A_595 = tpu.memref_slice %arg6[%run_scoped3A_342, %dma_wait3A_593, %dma_wait3A_594] : memref<3x80x128xf32, #tpu.memory_space<vmem>> -> memref<1x80x128xf32, #tpu.memory_space<vmem>>
      %dma_wait3A_596 = tpu.memref_squeeze %dma_wait3A_595 : memref<1x80x128xf32, #tpu.memory_space<vmem>> -> memref<80x128xf32, #tpu.memory_space<vmem>>
      %dma_wait3A_597 = arith.constant 0 : i32
      %dma_wait3A_598 = tpu.memref_slice %arg7[%add3A_318, %dma_wait3A_597] : memref<10240x128xf32, #tpu.memory_space<vmem_shared>> -> memref<80x128xf32, #tpu.memory_space<vmem_shared>>
      tpu.wait_dma2 semaphore(%run_scoped3A_574 : memref<!tpu.dma_semaphore, #tpu.memory_space<semaphore_mem>>) src(%dma_wait3A_598 : memref<80x128xf32, #tpu.memory_space<vmem_shared>>) dst(%dma_wait3A_596 : memref<80x128xf32, #tpu.memory_space<vmem>>)
      tpu.yield
    }) : () -> ()
    %dma_start3A_343 = arith.constant 1 : i32
    %dma_start3A_344 = arith.constant 0 : i32
    %dma_start3A_345 = arith.constant 0 : i32
    %dma_start3A_346 = tpu.memref_slice %arg6[%dma_start3A_343, %dma_start3A_344, %dma_start3A_345] : memref<3x80x128xf32, #tpu.memory_space<vmem>> -> memref<1x80x128xf32, #tpu.memory_space<vmem>>
    %dma_start3A_347 = tpu.memref_squeeze %dma_start3A_346 : memref<1x80x128xf32, #tpu.memory_space<vmem>> -> memref<80x128xf32, #tpu.memory_space<vmem>>
    %dma_start3A_348 = arith.constant 0 : i32
    %dma_start3A_349 = arith.constant 0 : i32
    %dma_start3A_350 = tpu.memref_slice %arg4[%arg0, %dma_start3A_348, %dma_start3A_349] : memref<2x10240x128xf32, #tpu.memory_space<hbm>> -> memref<1x10240x128xf32, #tpu.memory_space<hbm>>
    %dma_start3A_351 = tpu.memref_squeeze %dma_start3A_350 : memref<1x10240x128xf32, #tpu.memory_space<hbm>> -> memref<10240x128xf32, #tpu.memory_space<hbm>>
    %dma_start3A_352 = arith.constant 0 : i32
    %dma_start3A_353 = tpu.memref_slice %dma_start3A_351[%add3A_318, %dma_start3A_352] : memref<10240x128xf32, #tpu.memory_space<hbm>> -> memref<80x128xf32, #tpu.memory_space<hbm>>
    %dma_start3A_354 = arith.constant 0 : i32
    %dma_start3A_355 = arith.constant 0 : i32
    %dma_start3A_356 = tpu.memref_slice %arg4[%arg0, %dma_start3A_354, %dma_start3A_355] : memref<2x10240x128xf32, #tpu.memory_space<hbm>> -> memref<1x10240x128xf32, #tpu.memory_space<hbm>>
    %dma_start3A_357 = tpu.memref_squeeze %dma_start3A_356 : memref<1x10240x128xf32, #tpu.memory_space<hbm>> -> memref<10240x128xf32, #tpu.memory_space<hbm>>
    %dma_start3A_358 = arith.constant 0 : i32
    %dma_start3A_359 = tpu.memref_slice %dma_start3A_357[%add3A_318, %dma_start3A_358] : memref<10240x128xf32, #tpu.memory_space<hbm>> -> memref<80x128xf32, #tpu.memory_space<hbm>>
    %dma_start3A_360 = arith.constant 0 : i32
    %dma_start3A_361 = arith.constant 0 : i32
    %dma_start3A_362 = tpu.memref_slice %arg6[%dma_start3A_343, %dma_start3A_360, %dma_start3A_361] : memref<3x80x128xf32, #tpu.memory_space<vmem>> -> memref<1x80x128xf32, #tpu.memory_space<vmem>>
    %dma_start3A_363 = tpu.memref_squeeze %dma_start3A_362 : memref<1x80x128xf32, #tpu.memory_space<vmem>> -> memref<80x128xf32, #tpu.memory_space<vmem>>
    tpu.enqueue_dma source(%dma_start3A_363 : memref<80x128xf32, #tpu.memory_space<vmem>>) target(%dma_start3A_359 : memref<80x128xf32, #tpu.memory_space<hbm>>) target_semaphore(%arg9 : memref<!tpu.dma_semaphore, #tpu.memory_space<semaphore_mem>>)
    %add3A_364 = arith.constant 400 : i32
    %add3A_365 = arith.addi %mul3A_58, %add3A_364 : i32
    %add3A_366 = arith.constant 160 : i32
    %add3A_367 = arith.addi %mul3A_58, %add3A_366 : i32
    %dma_wait3A_368 = arith.constant 2 : i32
    %dma_wait3A_369 = arith.constant 0 : i32
    %dma_wait3A_370 = arith.constant 0 : i32
    %dma_wait3A_371 = tpu.memref_slice %arg6[%dma_wait3A_368, %dma_wait3A_369, %dma_wait3A_370] : memref<3x80x128xf32, #tpu.memory_space<vmem>> -> memref<1x80x128xf32, #tpu.memory_space<vmem>>
    %dma_wait3A_372 = tpu.memref_squeeze %dma_wait3A_371 : memref<1x80x128xf32, #tpu.memory_space<vmem>> -> memref<80x128xf32, #tpu.memory_space<vmem>>
    %dma_wait3A_373 = arith.constant 0 : i32
    %dma_wait3A_374 = arith.constant 0 : i32
    %dma_wait3A_375 = tpu.memref_slice %arg4[%arg0, %dma_wait3A_373, %dma_wait3A_374] : memref<2x10240x128xf32, #tpu.memory_space<hbm>> -> memref<1x10240x128xf32, #tpu.memory_space<hbm>>
    %dma_wait3A_376 = tpu.memref_squeeze %dma_wait3A_375 : memref<1x10240x128xf32, #tpu.memory_space<hbm>> -> memref<10240x128xf32, #tpu.memory_space<hbm>>
    %dma_wait3A_377 = arith.constant 0 : i32
    %dma_wait3A_378 = tpu.memref_slice %dma_wait3A_376[%add3A_367, %dma_wait3A_377] : memref<10240x128xf32, #tpu.memory_space<hbm>> -> memref<80x128xf32, #tpu.memory_space<hbm>>
    %dma_wait3A_379 = arith.constant 0 : i32
    %dma_wait3A_380 = arith.constant 0 : i32
    %dma_wait3A_381 = tpu.memref_slice %arg4[%arg0, %dma_wait3A_379, %dma_wait3A_380] : memref<2x10240x128xf32, #tpu.memory_space<hbm>> -> memref<1x10240x128xf32, #tpu.memory_space<hbm>>
    %dma_wait3A_382 = tpu.memref_squeeze %dma_wait3A_381 : memref<1x10240x128xf32, #tpu.memory_space<hbm>> -> memref<10240x128xf32, #tpu.memory_space<hbm>>
    %dma_wait3A_383 = arith.constant 0 : i32
    %dma_wait3A_384 = tpu.memref_slice %dma_wait3A_382[%add3A_367, %dma_wait3A_383] : memref<10240x128xf32, #tpu.memory_space<hbm>> -> memref<80x128xf32, #tpu.memory_space<hbm>>
    %dma_wait3A_385 = arith.constant 0 : i32
    %dma_wait3A_386 = arith.constant 0 : i32
    %dma_wait3A_387 = tpu.memref_slice %arg6[%dma_wait3A_368, %dma_wait3A_385, %dma_wait3A_386] : memref<3x80x128xf32, #tpu.memory_space<vmem>> -> memref<1x80x128xf32, #tpu.memory_space<vmem>>
    %dma_wait3A_388 = tpu.memref_squeeze %dma_wait3A_387 : memref<1x80x128xf32, #tpu.memory_space<vmem>> -> memref<80x128xf32, #tpu.memory_space<vmem>>
    tpu.wait_dma2 semaphore(%arg10 : memref<!tpu.dma_semaphore, #tpu.memory_space<semaphore_mem>>) src(%dma_wait3A_388 : memref<80x128xf32, #tpu.memory_space<vmem>>) dst(%dma_wait3A_384 : memref<80x128xf32, #tpu.memory_space<hbm>>)
    %run_scoped3A_389 = arith.constant 2 : i32
    "tpu.region"() ({
      %run_scoped3A_574 = tpu.sem_alloc : memref<!tpu.dma_semaphore, #tpu.memory_space<semaphore_mem>>
      %dma_start3A_575 = arith.constant 0 : i32
      %dma_start3A_576 = arith.constant 0 : i32
      %dma_start3A_577 = tpu.memref_slice %arg6[%run_scoped3A_389, %dma_start3A_575, %dma_start3A_576] : memref<3x80x128xf32, #tpu.memory_space<vmem>> -> memref<1x80x128xf32, #tpu.memory_space<vmem>>
      %dma_start3A_578 = tpu.memref_squeeze %dma_start3A_577 : memref<1x80x128xf32, #tpu.memory_space<vmem>> -> memref<80x128xf32, #tpu.memory_space<vmem>>
      %dma_start3A_579 = arith.constant 0 : i32
      %dma_start3A_580 = tpu.memref_slice %arg7[%add3A_365, %dma_start3A_579] : memref<10240x128xf32, #tpu.memory_space<vmem_shared>> -> memref<80x128xf32, #tpu.memory_space<vmem_shared>>
      %dma_start3A_581 = arith.constant 0 : i32
      %dma_start3A_582 = arith.constant 0 : i32
      %dma_start3A_583 = tpu.memref_slice %arg6[%run_scoped3A_389, %dma_start3A_581, %dma_start3A_582] : memref<3x80x128xf32, #tpu.memory_space<vmem>> -> memref<1x80x128xf32, #tpu.memory_space<vmem>>
      %dma_start3A_584 = tpu.memref_squeeze %dma_start3A_583 : memref<1x80x128xf32, #tpu.memory_space<vmem>> -> memref<80x128xf32, #tpu.memory_space<vmem>>
      %dma_start3A_585 = arith.constant 0 : i32
      %dma_start3A_586 = tpu.memref_slice %arg7[%add3A_365, %dma_start3A_585] : memref<10240x128xf32, #tpu.memory_space<vmem_shared>> -> memref<80x128xf32, #tpu.memory_space<vmem_shared>>
      tpu.enqueue_dma source(%dma_start3A_586 : memref<80x128xf32, #tpu.memory_space<vmem_shared>>) target(%dma_start3A_584 : memref<80x128xf32, #tpu.memory_space<vmem>>) target_semaphore(%run_scoped3A_574 : memref<!tpu.dma_semaphore, #tpu.memory_space<semaphore_mem>>)
      %dma_wait3A_587 = arith.constant 0 : i32
      %dma_wait3A_588 = arith.constant 0 : i32
      %dma_wait3A_589 = tpu.memref_slice %arg6[%run_scoped3A_389, %dma_wait3A_587, %dma_wait3A_588] : memref<3x80x128xf32, #tpu.memory_space<vmem>> -> memref<1x80x128xf32, #tpu.memory_space<vmem>>
      %dma_wait3A_590 = tpu.memref_squeeze %dma_wait3A_589 : memref<1x80x128xf32, #tpu.memory_space<vmem>> -> memref<80x128xf32, #tpu.memory_space<vmem>>
      %dma_wait3A_591 = arith.constant 0 : i32
      %dma_wait3A_592 = tpu.memref_slice %arg7[%add3A_365, %dma_wait3A_591] : memref<10240x128xf32, #tpu.memory_space<vmem_shared>> -> memref<80x128xf32, #tpu.memory_space<vmem_shared>>
      %dma_wait3A_593 = arith.constant 0 : i32
      %dma_wait3A_594 = arith.constant 0 : i32
      %dma_wait3A_595 = tpu.memref_slice %arg6[%run_scoped3A_389, %dma_wait3A_593, %dma_wait3A_594] : memref<3x80x128xf32, #tpu.memory_space<vmem>> -> memref<1x80x128xf32, #tpu.memory_space<vmem>>
      %dma_wait3A_596 = tpu.memref_squeeze %dma_wait3A_595 : memref<1x80x128xf32, #tpu.memory_space<vmem>> -> memref<80x128xf32, #tpu.memory_space<vmem>>
      %dma_wait3A_597 = arith.constant 0 : i32
      %dma_wait3A_598 = tpu.memref_slice %arg7[%add3A_365, %dma_wait3A_597] : memref<10240x128xf32, #tpu.memory_space<vmem_shared>> -> memref<80x128xf32, #tpu.memory_space<vmem_shared>>
      tpu.wait_dma2 semaphore(%run_scoped3A_574 : memref<!tpu.dma_semaphore, #tpu.memory_space<semaphore_mem>>) src(%dma_wait3A_598 : memref<80x128xf32, #tpu.memory_space<vmem_shared>>) dst(%dma_wait3A_596 : memref<80x128xf32, #tpu.memory_space<vmem>>)
      tpu.yield
    }) : () -> ()
    %dma_start3A_390 = arith.constant 2 : i32
    %dma_start3A_391 = arith.constant 0 : i32
    %dma_start3A_392 = arith.constant 0 : i32
    %dma_start3A_393 = tpu.memref_slice %arg6[%dma_start3A_390, %dma_start3A_391, %dma_start3A_392] : memref<3x80x128xf32, #tpu.memory_space<vmem>> -> memref<1x80x128xf32, #tpu.memory_space<vmem>>
    %dma_start3A_394 = tpu.memref_squeeze %dma_start3A_393 : memref<1x80x128xf32, #tpu.memory_space<vmem>> -> memref<80x128xf32, #tpu.memory_space<vmem>>
    %dma_start3A_395 = arith.constant 0 : i32
    %dma_start3A_396 = arith.constant 0 : i32
    %dma_start3A_397 = tpu.memref_slice %arg4[%arg0, %dma_start3A_395, %dma_start3A_396] : memref<2x10240x128xf32, #tpu.memory_space<hbm>> -> memref<1x10240x128xf32, #tpu.memory_space<hbm>>
    %dma_start3A_398 = tpu.memref_squeeze %dma_start3A_397 : memref<1x10240x128xf32, #tpu.memory_space<hbm>> -> memref<10240x128xf32, #tpu.memory_space<hbm>>
    %dma_start3A_399 = arith.constant 0 : i32
    %dma_start3A_400 = tpu.memref_slice %dma_start3A_398[%add3A_365, %dma_start3A_399] : memref<10240x128xf32, #tpu.memory_space<hbm>> -> memref<80x128xf32, #tpu.memory_space<hbm>>
    %dma_start3A_401 = arith.constant 0 : i32
    %dma_start3A_402 = arith.constant 0 : i32
    %dma_start3A_403 = tpu.memref_slice %arg4[%arg0, %dma_start3A_401, %dma_start3A_402] : memref<2x10240x128xf32, #tpu.memory_space<hbm>> -> memref<1x10240x128xf32, #tpu.memory_space<hbm>>
    %dma_start3A_404 = tpu.memref_squeeze %dma_start3A_403 : memref<1x10240x128xf32, #tpu.memory_space<hbm>> -> memref<10240x128xf32, #tpu.memory_space<hbm>>
    %dma_start3A_405 = arith.constant 0 : i32
    %dma_start3A_406 = tpu.memref_slice %dma_start3A_404[%add3A_365, %dma_start3A_405] : memref<10240x128xf32, #tpu.memory_space<hbm>> -> memref<80x128xf32, #tpu.memory_space<hbm>>
    %dma_start3A_407 = arith.constant 0 : i32
    %dma_start3A_408 = arith.constant 0 : i32
    %dma_start3A_409 = tpu.memref_slice %arg6[%dma_start3A_390, %dma_start3A_407, %dma_start3A_408] : memref<3x80x128xf32, #tpu.memory_space<vmem>> -> memref<1x80x128xf32, #tpu.memory_space<vmem>>
    %dma_start3A_410 = tpu.memref_squeeze %dma_start3A_409 : memref<1x80x128xf32, #tpu.memory_space<vmem>> -> memref<80x128xf32, #tpu.memory_space<vmem>>
    tpu.enqueue_dma source(%dma_start3A_410 : memref<80x128xf32, #tpu.memory_space<vmem>>) target(%dma_start3A_406 : memref<80x128xf32, #tpu.memory_space<hbm>>) target_semaphore(%arg10 : memref<!tpu.dma_semaphore, #tpu.memory_space<semaphore_mem>>)
    %add3A_411 = arith.constant 480 : i32
    %add3A_412 = arith.addi %mul3A_58, %add3A_411 : i32
    %add3A_413 = arith.constant 240 : i32
    %add3A_414 = arith.addi %mul3A_58, %add3A_413 : i32
    %dma_wait3A_415 = arith.constant 0 : i32
    %dma_wait3A_416 = arith.constant 0 : i32
    %dma_wait3A_417 = arith.constant 0 : i32
    %dma_wait3A_418 = tpu.memref_slice %arg6[%dma_wait3A_415, %dma_wait3A_416, %dma_wait3A_417] : memref<3x80x128xf32, #tpu.memory_space<vmem>> -> memref<1x80x128xf32, #tpu.memory_space<vmem>>
    %dma_wait3A_419 = tpu.memref_squeeze %dma_wait3A_418 : memref<1x80x128xf32, #tpu.memory_space<vmem>> -> memref<80x128xf32, #tpu.memory_space<vmem>>
    %dma_wait3A_420 = arith.constant 0 : i32
    %dma_wait3A_421 = arith.constant 0 : i32
    %dma_wait3A_422 = tpu.memref_slice %arg4[%arg0, %dma_wait3A_420, %dma_wait3A_421] : memref<2x10240x128xf32, #tpu.memory_space<hbm>> -> memref<1x10240x128xf32, #tpu.memory_space<hbm>>
    %dma_wait3A_423 = tpu.memref_squeeze %dma_wait3A_422 : memref<1x10240x128xf32, #tpu.memory_space<hbm>> -> memref<10240x128xf32, #tpu.memory_space<hbm>>
    %dma_wait3A_424 = arith.constant 0 : i32
    %dma_wait3A_425 = tpu.memref_slice %dma_wait3A_423[%add3A_414, %dma_wait3A_424] : memref<10240x128xf32, #tpu.memory_space<hbm>> -> memref<80x128xf32, #tpu.memory_space<hbm>>
    %dma_wait3A_426 = arith.constant 0 : i32
    %dma_wait3A_427 = arith.constant 0 : i32
    %dma_wait3A_428 = tpu.memref_slice %arg4[%arg0, %dma_wait3A_426, %dma_wait3A_427] : memref<2x10240x128xf32, #tpu.memory_space<hbm>> -> memref<1x10240x128xf32, #tpu.memory_space<hbm>>
    %dma_wait3A_429 = tpu.memref_squeeze %dma_wait3A_428 : memref<1x10240x128xf32, #tpu.memory_space<hbm>> -> memref<10240x128xf32, #tpu.memory_space<hbm>>
    %dma_wait3A_430 = arith.constant 0 : i32
    %dma_wait3A_431 = tpu.memref_slice %dma_wait3A_429[%add3A_414, %dma_wait3A_430] : memref<10240x128xf32, #tpu.memory_space<hbm>> -> memref<80x128xf32, #tpu.memory_space<hbm>>
    %dma_wait3A_432 = arith.constant 0 : i32
    %dma_wait3A_433 = arith.constant 0 : i32
    %dma_wait3A_434 = tpu.memref_slice %arg6[%dma_wait3A_415, %dma_wait3A_432, %dma_wait3A_433] : memref<3x80x128xf32, #tpu.memory_space<vmem>> -> memref<1x80x128xf32, #tpu.memory_space<vmem>>
    %dma_wait3A_435 = tpu.memref_squeeze %dma_wait3A_434 : memref<1x80x128xf32, #tpu.memory_space<vmem>> -> memref<80x128xf32, #tpu.memory_space<vmem>>
    tpu.wait_dma2 semaphore(%arg8 : memref<!tpu.dma_semaphore, #tpu.memory_space<semaphore_mem>>) src(%dma_wait3A_435 : memref<80x128xf32, #tpu.memory_space<vmem>>) dst(%dma_wait3A_431 : memref<80x128xf32, #tpu.memory_space<hbm>>)
    %run_scoped3A_436 = arith.constant 0 : i32
    "tpu.region"() ({
      %run_scoped3A_574 = tpu.sem_alloc : memref<!tpu.dma_semaphore, #tpu.memory_space<semaphore_mem>>
      %dma_start3A_575 = arith.constant 0 : i32
      %dma_start3A_576 = arith.constant 0 : i32
      %dma_start3A_577 = tpu.memref_slice %arg6[%run_scoped3A_436, %dma_start3A_575, %dma_start3A_576] : memref<3x80x128xf32, #tpu.memory_space<vmem>> -> memref<1x80x128xf32, #tpu.memory_space<vmem>>
      %dma_start3A_578 = tpu.memref_squeeze %dma_start3A_577 : memref<1x80x128xf32, #tpu.memory_space<vmem>> -> memref<80x128xf32, #tpu.memory_space<vmem>>
      %dma_start3A_579 = arith.constant 0 : i32
      %dma_start3A_580 = tpu.memref_slice %arg7[%add3A_412, %dma_start3A_579] : memref<10240x128xf32, #tpu.memory_space<vmem_shared>> -> memref<80x128xf32, #tpu.memory_space<vmem_shared>>
      %dma_start3A_581 = arith.constant 0 : i32
      %dma_start3A_582 = arith.constant 0 : i32
      %dma_start3A_583 = tpu.memref_slice %arg6[%run_scoped3A_436, %dma_start3A_581, %dma_start3A_582] : memref<3x80x128xf32, #tpu.memory_space<vmem>> -> memref<1x80x128xf32, #tpu.memory_space<vmem>>
      %dma_start3A_584 = tpu.memref_squeeze %dma_start3A_583 : memref<1x80x128xf32, #tpu.memory_space<vmem>> -> memref<80x128xf32, #tpu.memory_space<vmem>>
      %dma_start3A_585 = arith.constant 0 : i32
      %dma_start3A_586 = tpu.memref_slice %arg7[%add3A_412, %dma_start3A_585] : memref<10240x128xf32, #tpu.memory_space<vmem_shared>> -> memref<80x128xf32, #tpu.memory_space<vmem_shared>>
      tpu.enqueue_dma source(%dma_start3A_586 : memref<80x128xf32, #tpu.memory_space<vmem_shared>>) target(%dma_start3A_584 : memref<80x128xf32, #tpu.memory_space<vmem>>) target_semaphore(%run_scoped3A_574 : memref<!tpu.dma_semaphore, #tpu.memory_space<semaphore_mem>>)
      %dma_wait3A_587 = arith.constant 0 : i32
      %dma_wait3A_588 = arith.constant 0 : i32
      %dma_wait3A_589 = tpu.memref_slice %arg6[%run_scoped3A_436, %dma_wait3A_587, %dma_wait3A_588] : memref<3x80x128xf32, #tpu.memory_space<vmem>> -> memref<1x80x128xf32, #tpu.memory_space<vmem>>
      %dma_wait3A_590 = tpu.memref_squeeze %dma_wait3A_589 : memref<1x80x128xf32, #tpu.memory_space<vmem>> -> memref<80x128xf32, #tpu.memory_space<vmem>>
      %dma_wait3A_591 = arith.constant 0 : i32
      %dma_wait3A_592 = tpu.memref_slice %arg7[%add3A_412, %dma_wait3A_591] : memref<10240x128xf32, #tpu.memory_space<vmem_shared>> -> memref<80x128xf32, #tpu.memory_space<vmem_shared>>
      %dma_wait3A_593 = arith.constant 0 : i32
      %dma_wait3A_594 = arith.constant 0 : i32
      %dma_wait3A_595 = tpu.memref_slice %arg6[%run_scoped3A_436, %dma_wait3A_593, %dma_wait3A_594] : memref<3x80x128xf32, #tpu.memory_space<vmem>> -> memref<1x80x128xf32, #tpu.memory_space<vmem>>
      %dma_wait3A_596 = tpu.memref_squeeze %dma_wait3A_595 : memref<1x80x128xf32, #tpu.memory_space<vmem>> -> memref<80x128xf32, #tpu.memory_space<vmem>>
      %dma_wait3A_597 = arith.constant 0 : i32
      %dma_wait3A_598 = tpu.memref_slice %arg7[%add3A_412, %dma_wait3A_597] : memref<10240x128xf32, #tpu.memory_space<vmem_shared>> -> memref<80x128xf32, #tpu.memory_space<vmem_shared>>
      tpu.wait_dma2 semaphore(%run_scoped3A_574 : memref<!tpu.dma_semaphore, #tpu.memory_space<semaphore_mem>>) src(%dma_wait3A_598 : memref<80x128xf32, #tpu.memory_space<vmem_shared>>) dst(%dma_wait3A_596 : memref<80x128xf32, #tpu.memory_space<vmem>>)
      tpu.yield
    }) : () -> ()
    %dma_start3A_437 = arith.constant 0 : i32
    %dma_start3A_438 = arith.constant 0 : i32
    %dma_start3A_439 = arith.constant 0 : i32
    %dma_start3A_440 = tpu.memref_slice %arg6[%dma_start3A_437, %dma_start3A_438, %dma_start3A_439] : memref<3x80x128xf32, #tpu.memory_space<vmem>> -> memref<1x80x128xf32, #tpu.memory_space<vmem>>
    %dma_start3A_441 = tpu.memref_squeeze %dma_start3A_440 : memref<1x80x128xf32, #tpu.memory_space<vmem>> -> memref<80x128xf32, #tpu.memory_space<vmem>>
    %dma_start3A_442 = arith.constant 0 : i32
    %dma_start3A_443 = arith.constant 0 : i32
    %dma_start3A_444 = tpu.memref_slice %arg4[%arg0, %dma_start3A_442, %dma_start3A_443] : memref<2x10240x128xf32, #tpu.memory_space<hbm>> -> memref<1x10240x128xf32, #tpu.memory_space<hbm>>
    %dma_start3A_445 = tpu.memref_squeeze %dma_start3A_444 : memref<1x10240x128xf32, #tpu.memory_space<hbm>> -> memref<10240x128xf32, #tpu.memory_space<hbm>>
    %dma_start3A_446 = arith.constant 0 : i32
    %dma_start3A_447 = tpu.memref_slice %dma_start3A_445[%add3A_412, %dma_start3A_446] : memref<10240x128xf32, #tpu.memory_space<hbm>> -> memref<80x128xf32, #tpu.memory_space<hbm>>
    %dma_start3A_448 = arith.constant 0 : i32
    %dma_start3A_449 = arith.constant 0 : i32
    %dma_start3A_450 = tpu.memref_slice %arg4[%arg0, %dma_start3A_448, %dma_start3A_449] : memref<2x10240x128xf32, #tpu.memory_space<hbm>> -> memref<1x10240x128xf32, #tpu.memory_space<hbm>>
    %dma_start3A_451 = tpu.memref_squeeze %dma_start3A_450 : memref<1x10240x128xf32, #tpu.memory_space<hbm>> -> memref<10240x128xf32, #tpu.memory_space<hbm>>
    %dma_start3A_452 = arith.constant 0 : i32
    %dma_start3A_453 = tpu.memref_slice %dma_start3A_451[%add3A_412, %dma_start3A_452] : memref<10240x128xf32, #tpu.memory_space<hbm>> -> memref<80x128xf32, #tpu.memory_space<hbm>>
    %dma_start3A_454 = arith.constant 0 : i32
    %dma_start3A_455 = arith.constant 0 : i32
    %dma_start3A_456 = tpu.memref_slice %arg6[%dma_start3A_437, %dma_start3A_454, %dma_start3A_455] : memref<3x80x128xf32, #tpu.memory_space<vmem>> -> memref<1x80x128xf32, #tpu.memory_space<vmem>>
    %dma_start3A_457 = tpu.memref_squeeze %dma_start3A_456 : memref<1x80x128xf32, #tpu.memory_space<vmem>> -> memref<80x128xf32, #tpu.memory_space<vmem>>
    tpu.enqueue_dma source(%dma_start3A_457 : memref<80x128xf32, #tpu.memory_space<vmem>>) target(%dma_start3A_453 : memref<80x128xf32, #tpu.memory_space<hbm>>) target_semaphore(%arg8 : memref<!tpu.dma_semaphore, #tpu.memory_space<semaphore_mem>>)
    %add3A_458 = arith.constant 560 : i32
    %add3A_459 = arith.addi %mul3A_58, %add3A_458 : i32
    %add3A_460 = arith.constant 320 : i32
    %add3A_461 = arith.addi %mul3A_58, %add3A_460 : i32
    %dma_wait3A_462 = arith.constant 1 : i32
    %dma_wait3A_463 = arith.constant 0 : i32
    %dma_wait3A_464 = arith.constant 0 : i32
    %dma_wait3A_465 = tpu.memref_slice %arg6[%dma_wait3A_462, %dma_wait3A_463, %dma_wait3A_464] : memref<3x80x128xf32, #tpu.memory_space<vmem>> -> memref<1x80x128xf32, #tpu.memory_space<vmem>>
    %dma_wait3A_466 = tpu.memref_squeeze %dma_wait3A_465 : memref<1x80x128xf32, #tpu.memory_space<vmem>> -> memref<80x128xf32, #tpu.memory_space<vmem>>
    %dma_wait3A_467 = arith.constant 0 : i32
    %dma_wait3A_468 = arith.constant 0 : i32
    %dma_wait3A_469 = tpu.memref_slice %arg4[%arg0, %dma_wait3A_467, %dma_wait3A_468] : memref<2x10240x128xf32, #tpu.memory_space<hbm>> -> memref<1x10240x128xf32, #tpu.memory_space<hbm>>
    %dma_wait3A_470 = tpu.memref_squeeze %dma_wait3A_469 : memref<1x10240x128xf32, #tpu.memory_space<hbm>> -> memref<10240x128xf32, #tpu.memory_space<hbm>>
    %dma_wait3A_471 = arith.constant 0 : i32
    %dma_wait3A_472 = tpu.memref_slice %dma_wait3A_470[%add3A_461, %dma_wait3A_471] : memref<10240x128xf32, #tpu.memory_space<hbm>> -> memref<80x128xf32, #tpu.memory_space<hbm>>
    %dma_wait3A_473 = arith.constant 0 : i32
    %dma_wait3A_474 = arith.constant 0 : i32
    %dma_wait3A_475 = tpu.memref_slice %arg4[%arg0, %dma_wait3A_473, %dma_wait3A_474] : memref<2x10240x128xf32, #tpu.memory_space<hbm>> -> memref<1x10240x128xf32, #tpu.memory_space<hbm>>
    %dma_wait3A_476 = tpu.memref_squeeze %dma_wait3A_475 : memref<1x10240x128xf32, #tpu.memory_space<hbm>> -> memref<10240x128xf32, #tpu.memory_space<hbm>>
    %dma_wait3A_477 = arith.constant 0 : i32
    %dma_wait3A_478 = tpu.memref_slice %dma_wait3A_476[%add3A_461, %dma_wait3A_477] : memref<10240x128xf32, #tpu.memory_space<hbm>> -> memref<80x128xf32, #tpu.memory_space<hbm>>
    %dma_wait3A_479 = arith.constant 0 : i32
    %dma_wait3A_480 = arith.constant 0 : i32
    %dma_wait3A_481 = tpu.memref_slice %arg6[%dma_wait3A_462, %dma_wait3A_479, %dma_wait3A_480] : memref<3x80x128xf32, #tpu.memory_space<vmem>> -> memref<1x80x128xf32, #tpu.memory_space<vmem>>
    %dma_wait3A_482 = tpu.memref_squeeze %dma_wait3A_481 : memref<1x80x128xf32, #tpu.memory_space<vmem>> -> memref<80x128xf32, #tpu.memory_space<vmem>>
    tpu.wait_dma2 semaphore(%arg9 : memref<!tpu.dma_semaphore, #tpu.memory_space<semaphore_mem>>) src(%dma_wait3A_482 : memref<80x128xf32, #tpu.memory_space<vmem>>) dst(%dma_wait3A_478 : memref<80x128xf32, #tpu.memory_space<hbm>>)
    %run_scoped3A_483 = arith.constant 1 : i32
    "tpu.region"() ({
      %run_scoped3A_574 = tpu.sem_alloc : memref<!tpu.dma_semaphore, #tpu.memory_space<semaphore_mem>>
      %dma_start3A_575 = arith.constant 0 : i32
      %dma_start3A_576 = arith.constant 0 : i32
      %dma_start3A_577 = tpu.memref_slice %arg6[%run_scoped3A_483, %dma_start3A_575, %dma_start3A_576] : memref<3x80x128xf32, #tpu.memory_space<vmem>> -> memref<1x80x128xf32, #tpu.memory_space<vmem>>
      %dma_start3A_578 = tpu.memref_squeeze %dma_start3A_577 : memref<1x80x128xf32, #tpu.memory_space<vmem>> -> memref<80x128xf32, #tpu.memory_space<vmem>>
      %dma_start3A_579 = arith.constant 0 : i32
      %dma_start3A_580 = tpu.memref_slice %arg7[%add3A_459, %dma_start3A_579] : memref<10240x128xf32, #tpu.memory_space<vmem_shared>> -> memref<80x128xf32, #tpu.memory_space<vmem_shared>>
      %dma_start3A_581 = arith.constant 0 : i32
      %dma_start3A_582 = arith.constant 0 : i32
      %dma_start3A_583 = tpu.memref_slice %arg6[%run_scoped3A_483, %dma_start3A_581, %dma_start3A_582] : memref<3x80x128xf32, #tpu.memory_space<vmem>> -> memref<1x80x128xf32, #tpu.memory_space<vmem>>
      %dma_start3A_584 = tpu.memref_squeeze %dma_start3A_583 : memref<1x80x128xf32, #tpu.memory_space<vmem>> -> memref<80x128xf32, #tpu.memory_space<vmem>>
      %dma_start3A_585 = arith.constant 0 : i32
      %dma_start3A_586 = tpu.memref_slice %arg7[%add3A_459, %dma_start3A_585] : memref<10240x128xf32, #tpu.memory_space<vmem_shared>> -> memref<80x128xf32, #tpu.memory_space<vmem_shared>>
      tpu.enqueue_dma source(%dma_start3A_586 : memref<80x128xf32, #tpu.memory_space<vmem_shared>>) target(%dma_start3A_584 : memref<80x128xf32, #tpu.memory_space<vmem>>) target_semaphore(%run_scoped3A_574 : memref<!tpu.dma_semaphore, #tpu.memory_space<semaphore_mem>>)
      %dma_wait3A_587 = arith.constant 0 : i32
      %dma_wait3A_588 = arith.constant 0 : i32
      %dma_wait3A_589 = tpu.memref_slice %arg6[%run_scoped3A_483, %dma_wait3A_587, %dma_wait3A_588] : memref<3x80x128xf32, #tpu.memory_space<vmem>> -> memref<1x80x128xf32, #tpu.memory_space<vmem>>
      %dma_wait3A_590 = tpu.memref_squeeze %dma_wait3A_589 : memref<1x80x128xf32, #tpu.memory_space<vmem>> -> memref<80x128xf32, #tpu.memory_space<vmem>>
      %dma_wait3A_591 = arith.constant 0 : i32
      %dma_wait3A_592 = tpu.memref_slice %arg7[%add3A_459, %dma_wait3A_591] : memref<10240x128xf32, #tpu.memory_space<vmem_shared>> -> memref<80x128xf32, #tpu.memory_space<vmem_shared>>
      %dma_wait3A_593 = arith.constant 0 : i32
      %dma_wait3A_594 = arith.constant 0 : i32
      %dma_wait3A_595 = tpu.memref_slice %arg6[%run_scoped3A_483, %dma_wait3A_593, %dma_wait3A_594] : memref<3x80x128xf32, #tpu.memory_space<vmem>> -> memref<1x80x128xf32, #tpu.memory_space<vmem>>
      %dma_wait3A_596 = tpu.memref_squeeze %dma_wait3A_595 : memref<1x80x128xf32, #tpu.memory_space<vmem>> -> memref<80x128xf32, #tpu.memory_space<vmem>>
      %dma_wait3A_597 = arith.constant 0 : i32
      %dma_wait3A_598 = tpu.memref_slice %arg7[%add3A_459, %dma_wait3A_597] : memref<10240x128xf32, #tpu.memory_space<vmem_shared>> -> memref<80x128xf32, #tpu.memory_space<vmem_shared>>
      tpu.wait_dma2 semaphore(%run_scoped3A_574 : memref<!tpu.dma_semaphore, #tpu.memory_space<semaphore_mem>>) src(%dma_wait3A_598 : memref<80x128xf32, #tpu.memory_space<vmem_shared>>) dst(%dma_wait3A_596 : memref<80x128xf32, #tpu.memory_space<vmem>>)
      tpu.yield
    }) : () -> ()
    %dma_start3A_484 = arith.constant 1 : i32
    %dma_start3A_485 = arith.constant 0 : i32
    %dma_start3A_486 = arith.constant 0 : i32
    %dma_start3A_487 = tpu.memref_slice %arg6[%dma_start3A_484, %dma_start3A_485, %dma_start3A_486] : memref<3x80x128xf32, #tpu.memory_space<vmem>> -> memref<1x80x128xf32, #tpu.memory_space<vmem>>
    %dma_start3A_488 = tpu.memref_squeeze %dma_start3A_487 : memref<1x80x128xf32, #tpu.memory_space<vmem>> -> memref<80x128xf32, #tpu.memory_space<vmem>>
    %dma_start3A_489 = arith.constant 0 : i32
    %dma_start3A_490 = arith.constant 0 : i32
    %dma_start3A_491 = tpu.memref_slice %arg4[%arg0, %dma_start3A_489, %dma_start3A_490] : memref<2x10240x128xf32, #tpu.memory_space<hbm>> -> memref<1x10240x128xf32, #tpu.memory_space<hbm>>
    %dma_start3A_492 = tpu.memref_squeeze %dma_start3A_491 : memref<1x10240x128xf32, #tpu.memory_space<hbm>> -> memref<10240x128xf32, #tpu.memory_space<hbm>>
    %dma_start3A_493 = arith.constant 0 : i32
    %dma_start3A_494 = tpu.memref_slice %dma_start3A_492[%add3A_459, %dma_start3A_493] : memref<10240x128xf32, #tpu.memory_space<hbm>> -> memref<80x128xf32, #tpu.memory_space<hbm>>
    %dma_start3A_495 = arith.constant 0 : i32
    %dma_start3A_496 = arith.constant 0 : i32
    %dma_start3A_497 = tpu.memref_slice %arg4[%arg0, %dma_start3A_495, %dma_start3A_496] : memref<2x10240x128xf32, #tpu.memory_space<hbm>> -> memref<1x10240x128xf32, #tpu.memory_space<hbm>>
    %dma_start3A_498 = tpu.memref_squeeze %dma_start3A_497 : memref<1x10240x128xf32, #tpu.memory_space<hbm>> -> memref<10240x128xf32, #tpu.memory_space<hbm>>
    %dma_start3A_499 = arith.constant 0 : i32
    %dma_start3A_500 = tpu.memref_slice %dma_start3A_498[%add3A_459, %dma_start3A_499] : memref<10240x128xf32, #tpu.memory_space<hbm>> -> memref<80x128xf32, #tpu.memory_space<hbm>>
    %dma_start3A_501 = arith.constant 0 : i32
    %dma_start3A_502 = arith.constant 0 : i32
    %dma_start3A_503 = tpu.memref_slice %arg6[%dma_start3A_484, %dma_start3A_501, %dma_start3A_502] : memref<3x80x128xf32, #tpu.memory_space<vmem>> -> memref<1x80x128xf32, #tpu.memory_space<vmem>>
    %dma_start3A_504 = tpu.memref_squeeze %dma_start3A_503 : memref<1x80x128xf32, #tpu.memory_space<vmem>> -> memref<80x128xf32, #tpu.memory_space<vmem>>
    tpu.enqueue_dma source(%dma_start3A_504 : memref<80x128xf32, #tpu.memory_space<vmem>>) target(%dma_start3A_500 : memref<80x128xf32, #tpu.memory_space<hbm>>) target_semaphore(%arg9 : memref<!tpu.dma_semaphore, #tpu.memory_space<semaphore_mem>>)
    %add3A_505 = arith.constant 400 : i32
    %add3A_506 = arith.addi %mul3A_58, %add3A_505 : i32
    %dma_wait3A_507 = arith.constant 2 : i32
    %dma_wait3A_508 = arith.constant 0 : i32
    %dma_wait3A_509 = arith.constant 0 : i32
    %dma_wait3A_510 = tpu.memref_slice %arg6[%dma_wait3A_507, %dma_wait3A_508, %dma_wait3A_509] : memref<3x80x128xf32, #tpu.memory_space<vmem>> -> memref<1x80x128xf32, #tpu.memory_space<vmem>>
    %dma_wait3A_511 = tpu.memref_squeeze %dma_wait3A_510 : memref<1x80x128xf32, #tpu.memory_space<vmem>> -> memref<80x128xf32, #tpu.memory_space<vmem>>
    %dma_wait3A_512 = arith.constant 0 : i32
    %dma_wait3A_513 = arith.constant 0 : i32
    %dma_wait3A_514 = tpu.memref_slice %arg4[%arg0, %dma_wait3A_512, %dma_wait3A_513] : memref<2x10240x128xf32, #tpu.memory_space<hbm>> -> memref<1x10240x128xf32, #tpu.memory_space<hbm>>
    %dma_wait3A_515 = tpu.memref_squeeze %dma_wait3A_514 : memref<1x10240x128xf32, #tpu.memory_space<hbm>> -> memref<10240x128xf32, #tpu.memory_space<hbm>>
    %dma_wait3A_516 = arith.constant 0 : i32
    %dma_wait3A_517 = tpu.memref_slice %dma_wait3A_515[%add3A_506, %dma_wait3A_516] : memref<10240x128xf32, #tpu.memory_space<hbm>> -> memref<80x128xf32, #tpu.memory_space<hbm>>
    %dma_wait3A_518 = arith.constant 0 : i32
    %dma_wait3A_519 = arith.constant 0 : i32
    %dma_wait3A_520 = tpu.memref_slice %arg4[%arg0, %dma_wait3A_518, %dma_wait3A_519] : memref<2x10240x128xf32, #tpu.memory_space<hbm>> -> memref<1x10240x128xf32, #tpu.memory_space<hbm>>
    %dma_wait3A_521 = tpu.memref_squeeze %dma_wait3A_520 : memref<1x10240x128xf32, #tpu.memory_space<hbm>> -> memref<10240x128xf32, #tpu.memory_space<hbm>>
    %dma_wait3A_522 = arith.constant 0 : i32
    %dma_wait3A_523 = tpu.memref_slice %dma_wait3A_521[%add3A_506, %dma_wait3A_522] : memref<10240x128xf32, #tpu.memory_space<hbm>> -> memref<80x128xf32, #tpu.memory_space<hbm>>
    %dma_wait3A_524 = arith.constant 0 : i32
    %dma_wait3A_525 = arith.constant 0 : i32
    %dma_wait3A_526 = tpu.memref_slice %arg6[%dma_wait3A_507, %dma_wait3A_524, %dma_wait3A_525] : memref<3x80x128xf32, #tpu.memory_space<vmem>> -> memref<1x80x128xf32, #tpu.memory_space<vmem>>
    %dma_wait3A_527 = tpu.memref_squeeze %dma_wait3A_526 : memref<1x80x128xf32, #tpu.memory_space<vmem>> -> memref<80x128xf32, #tpu.memory_space<vmem>>
    tpu.wait_dma2 semaphore(%arg10 : memref<!tpu.dma_semaphore, #tpu.memory_space<semaphore_mem>>) src(%dma_wait3A_527 : memref<80x128xf32, #tpu.memory_space<vmem>>) dst(%dma_wait3A_523 : memref<80x128xf32, #tpu.memory_space<hbm>>)
    %add3A_528 = arith.constant 480 : i32
    %add3A_529 = arith.addi %mul3A_58, %add3A_528 : i32
    %dma_wait3A_530 = arith.constant 0 : i32
    %dma_wait3A_531 = arith.constant 0 : i32
    %dma_wait3A_532 = arith.constant 0 : i32
    %dma_wait3A_533 = tpu.memref_slice %arg6[%dma_wait3A_530, %dma_wait3A_531, %dma_wait3A_532] : memref<3x80x128xf32, #tpu.memory_space<vmem>> -> memref<1x80x128xf32, #tpu.memory_space<vmem>>
    %dma_wait3A_534 = tpu.memref_squeeze %dma_wait3A_533 : memref<1x80x128xf32, #tpu.memory_space<vmem>> -> memref<80x128xf32, #tpu.memory_space<vmem>>
    %dma_wait3A_535 = arith.constant 0 : i32
    %dma_wait3A_536 = arith.constant 0 : i32
    %dma_wait3A_537 = tpu.memref_slice %arg4[%arg0, %dma_wait3A_535, %dma_wait3A_536] : memref<2x10240x128xf32, #tpu.memory_space<hbm>> -> memref<1x10240x128xf32, #tpu.memory_space<hbm>>
    %dma_wait3A_538 = tpu.memref_squeeze %dma_wait3A_537 : memref<1x10240x128xf32, #tpu.memory_space<hbm>> -> memref<10240x128xf32, #tpu.memory_space<hbm>>
    %dma_wait3A_539 = arith.constant 0 : i32
    %dma_wait3A_540 = tpu.memref_slice %dma_wait3A_538[%add3A_529, %dma_wait3A_539] : memref<10240x128xf32, #tpu.memory_space<hbm>> -> memref<80x128xf32, #tpu.memory_space<hbm>>
    %dma_wait3A_541 = arith.constant 0 : i32
    %dma_wait3A_542 = arith.constant 0 : i32
    %dma_wait3A_543 = tpu.memref_slice %arg4[%arg0, %dma_wait3A_541, %dma_wait3A_542] : memref<2x10240x128xf32, #tpu.memory_space<hbm>> -> memref<1x10240x128xf32, #tpu.memory_space<hbm>>
    %dma_wait3A_544 = tpu.memref_squeeze %dma_wait3A_543 : memref<1x10240x128xf32, #tpu.memory_space<hbm>> -> memref<10240x128xf32, #tpu.memory_space<hbm>>
    %dma_wait3A_545 = arith.constant 0 : i32
    %dma_wait3A_546 = tpu.memref_slice %dma_wait3A_544[%add3A_529, %dma_wait3A_545] : memref<10240x128xf32, #tpu.memory_space<hbm>> -> memref<80x128xf32, #tpu.memory_space<hbm>>
    %dma_wait3A_547 = arith.constant 0 : i32
    %dma_wait3A_548 = arith.constant 0 : i32
    %dma_wait3A_549 = tpu.memref_slice %arg6[%dma_wait3A_530, %dma_wait3A_547, %dma_wait3A_548] : memref<3x80x128xf32, #tpu.memory_space<vmem>> -> memref<1x80x128xf32, #tpu.memory_space<vmem>>
    %dma_wait3A_550 = tpu.memref_squeeze %dma_wait3A_549 : memref<1x80x128xf32, #tpu.memory_space<vmem>> -> memref<80x128xf32, #tpu.memory_space<vmem>>
    tpu.wait_dma2 semaphore(%arg8 : memref<!tpu.dma_semaphore, #tpu.memory_space<semaphore_mem>>) src(%dma_wait3A_550 : memref<80x128xf32, #tpu.memory_space<vmem>>) dst(%dma_wait3A_546 : memref<80x128xf32, #tpu.memory_space<hbm>>)
    %add3A_551 = arith.constant 560 : i32
    %add3A_552 = arith.addi %mul3A_58, %add3A_551 : i32
    %dma_wait3A_553 = arith.constant 1 : i32
    %dma_wait3A_554 = arith.constant 0 : i32
    %dma_wait3A_555 = arith.constant 0 : i32
    %dma_wait3A_556 = tpu.memref_slice %arg6[%dma_wait3A_553, %dma_wait3A_554, %dma_wait3A_555] : memref<3x80x128xf32, #tpu.memory_space<vmem>> -> memref<1x80x128xf32, #tpu.memory_space<vmem>>
    %dma_wait3A_557 = tpu.memref_squeeze %dma_wait3A_556 : memref<1x80x128xf32, #tpu.memory_space<vmem>> -> memref<80x128xf32, #tpu.memory_space<vmem>>
    %dma_wait3A_558 = arith.constant 0 : i32
    %dma_wait3A_559 = arith.constant 0 : i32
    %dma_wait3A_560 = tpu.memref_slice %arg4[%arg0, %dma_wait3A_558, %dma_wait3A_559] : memref<2x10240x128xf32, #tpu.memory_space<hbm>> -> memref<1x10240x128xf32, #tpu.memory_space<hbm>>
    %dma_wait3A_561 = tpu.memref_squeeze %dma_wait3A_560 : memref<1x10240x128xf32, #tpu.memory_space<hbm>> -> memref<10240x128xf32, #tpu.memory_space<hbm>>
    %dma_wait3A_562 = arith.constant 0 : i32
    %dma_wait3A_563 = tpu.memref_slice %dma_wait3A_561[%add3A_552, %dma_wait3A_562] : memref<10240x128xf32, #tpu.memory_space<hbm>> -> memref<80x128xf32, #tpu.memory_space<hbm>>
    %dma_wait3A_564 = arith.constant 0 : i32
    %dma_wait3A_565 = arith.constant 0 : i32
    %dma_wait3A_566 = tpu.memref_slice %arg4[%arg0, %dma_wait3A_564, %dma_wait3A_565] : memref<2x10240x128xf32, #tpu.memory_space<hbm>> -> memref<1x10240x128xf32, #tpu.memory_space<hbm>>
    %dma_wait3A_567 = tpu.memref_squeeze %dma_wait3A_566 : memref<1x10240x128xf32, #tpu.memory_space<hbm>> -> memref<10240x128xf32, #tpu.memory_space<hbm>>
    %dma_wait3A_568 = arith.constant 0 : i32
    %dma_wait3A_569 = tpu.memref_slice %dma_wait3A_567[%add3A_552, %dma_wait3A_568] : memref<10240x128xf32, #tpu.memory_space<hbm>> -> memref<80x128xf32, #tpu.memory_space<hbm>>
    %dma_wait3A_570 = arith.constant 0 : i32
    %dma_wait3A_571 = arith.constant 0 : i32
    %dma_wait3A_572 = tpu.memref_slice %arg6[%dma_wait3A_553, %dma_wait3A_570, %dma_wait3A_571] : memref<3x80x128xf32, #tpu.memory_space<vmem>> -> memref<1x80x128xf32, #tpu.memory_space<vmem>>
    %dma_wait3A_573 = tpu.memref_squeeze %dma_wait3A_572 : memref<1x80x128xf32, #tpu.memory_space<vmem>> -> memref<80x128xf32, #tpu.memory_space<vmem>>
    tpu.wait_dma2 semaphore(%arg9 : memref<!tpu.dma_semaphore, #tpu.memory_space<semaphore_mem>>) src(%dma_wait3A_573 : memref<80x128xf32, #tpu.memory_space<vmem>>) dst(%dma_wait3A_569 : memref<80x128xf32, #tpu.memory_space<hbm>>)
    return
  }
}

module attributes {stable_mosaic.version = 14 : i64} {
  func.func @_mlp_body(%arg0: i32, %arg1: memref<2000x128xf32, #tpu.memory_space<vmem>>, %arg2: memref<2x2000x128xf32, #tpu.memory_space<vmem>>, %arg3: memref<1x128x128xf32, #tpu.memory_space<vmem>>, %arg4: memref<1x128x128xf32, #tpu.memory_space<vmem>>, %arg5: memref<1x128xf32, #tpu.memory_space<vmem>>, %arg6: memref<128x128xf32, #tpu.memory_space<vmem>>, %arg7: memref<1x128xf32, #tpu.memory_space<vmem>>, %arg8: memref<128x128xf32, #tpu.memory_space<vmem>>, %arg9: memref<1x128xf32, #tpu.memory_space<vmem>>, %arg10: memref<1x128xf32, #tpu.memory_space<vmem>>, %arg11: memref<1x128xf32, #tpu.memory_space<vmem>>, %arg12: memref<2000x128xf32, #tpu.memory_space<vmem>>) attributes {dimension_semantics = [#tpu.dimension_semantics<arbitrary>], iteration_bounds = array<i64: 5>, scalar_prefetch = 0 : i64, scratch_operands = 0 : i64, tpu.core_type = #tpu.core_type<tc>, window_params = [{transform_indices = @transform_0, window_bounds = array<i64: 2000, 128>}, {transform_indices = @transform_1, window_bounds = array<i64: 2, 2000, 128>}, {transform_indices = @transform_2, window_bounds = array<i64: 1, 128, 128>}, {transform_indices = @transform_3, window_bounds = array<i64: 1, 128, 128>}, {pipeline_mode = #tpu.pipeline_mode<synchronous>, transform_indices = @transform_4, window_bounds = array<i64: 1, 128>}, {pipeline_mode = #tpu.pipeline_mode<synchronous>, transform_indices = @transform_5, window_bounds = array<i64: 128, 128>}, {pipeline_mode = #tpu.pipeline_mode<synchronous>, transform_indices = @transform_6, window_bounds = array<i64: 1, 128>}, {pipeline_mode = #tpu.pipeline_mode<synchronous>, transform_indices = @transform_7, window_bounds = array<i64: 128, 128>}, {pipeline_mode = #tpu.pipeline_mode<synchronous>, transform_indices = @transform_8, window_bounds = array<i64: 1, 128>}, {pipeline_mode = #tpu.pipeline_mode<synchronous>, transform_indices = @transform_9, window_bounds = array<i64: 1, 128>}, {pipeline_mode = #tpu.pipeline_mode<synchronous>, transform_indices = @transform_10, window_bounds = array<i64: 1, 128>}, {transform_indices = @transform_11, window_bounds = array<i64: 2000, 128>}]} {
    %get3A = arith.constant 0 : index
    %get3A_0 = arith.constant 0 : index
    %get3A_1 = vector.load %arg1[%get3A, %get3A_0] : memref<2000x128xf32, #tpu.memory_space<vmem>>, vector<2000x128xf32>
    %get3A_2 = arith.constant 0 : index
    %get3A_3 = arith.constant 0 : index
    %get3A_4 = arith.constant 0 : index
    %get3A_5 = vector.load %arg2[%get3A_2, %get3A_3, %get3A_4] : memref<2x2000x128xf32, #tpu.memory_space<vmem>>, vector<1x2000x128xf32>
    %get3A_6 = vector.shape_cast %get3A_5 : vector<1x2000x128xf32> to vector<2000x128xf32>
    %get3A_7 = arith.constant 1 : index
    %get3A_8 = arith.constant 0 : index
    %get3A_9 = arith.constant 0 : index
    %get3A_10 = vector.load %arg2[%get3A_7, %get3A_8, %get3A_9] : memref<2x2000x128xf32, #tpu.memory_space<vmem>>, vector<1x2000x128xf32>
    %get3A_11 = vector.shape_cast %get3A_10 : vector<1x2000x128xf32> to vector<2000x128xf32>
    %add3A = arith.addf %get3A_6, %get3A_11 : vector<2000x128xf32>
    %get3A_12 = arith.constant 0 : index
    %get3A_13 = arith.constant 0 : index
    %get3A_14 = arith.constant 0 : index
    %get3A_15 = vector.load %arg3[%get3A_12, %get3A_13, %get3A_14] : memref<1x128x128xf32, #tpu.memory_space<vmem>>, vector<1x128x128xf32>
    %get3A_16 = vector.shape_cast %get3A_15 : vector<1x128x128xf32> to vector<128x128xf32>
    %dot_general3A = arith.constant dense<0.000000e+00> : vector<2000x128xf32>
    %dot_general3A_17 = tpu.matmul %get3A_1, %get3A_16, %dot_general3A {dimension_numbers = #tpu.dot_dimension_numbers<[1], [0], [0], [1], [0, 0, 1, 1], [], []>, transpose_lhs_hint = false} : vector<2000x128xf32>, vector<128x128xf32>, vector<2000x128xf32> -> vector<2000x128xf32>
    %get3A_18 = arith.constant 0 : index
    %get3A_19 = arith.constant 0 : index
    %get3A_20 = arith.constant 0 : index
    %get3A_21 = vector.load %arg4[%get3A_18, %get3A_19, %get3A_20] : memref<1x128x128xf32, #tpu.memory_space<vmem>>, vector<1x128x128xf32>
    %get3A_22 = vector.shape_cast %get3A_21 : vector<1x128x128xf32> to vector<128x128xf32>
    %dot_general3A_23 = arith.constant dense<0.000000e+00> : vector<2000x128xf32>
    %dot_general3A_24 = tpu.matmul %add3A, %get3A_22, %dot_general3A_23 {dimension_numbers = #tpu.dot_dimension_numbers<[1], [0], [0], [1], [0, 0, 1, 1], [], []>, transpose_lhs_hint = false} : vector<2000x128xf32>, vector<128x128xf32>, vector<2000x128xf32> -> vector<2000x128xf32>
    %add3A_25 = arith.addf %dot_general3A_17, %dot_general3A_24 : vector<2000x128xf32>
    %get3A_26 = arith.constant 0 : index
    %get3A_27 = arith.constant 0 : index
    %get3A_28 = vector.load %arg5[%get3A_26, %get3A_27] : memref<1x128xf32, #tpu.memory_space<vmem>>, vector<1x128xf32>
    %add3A_29 = vector.broadcast %get3A_28 : vector<1x128xf32> to vector<2000x128xf32>
    %add3A_30 = arith.addf %add3A_25, %add3A_29 : vector<2000x128xf32>
    %max3A = arith.constant 0.000000e+00 : f32
    %max3A_31 = vector.broadcast %max3A : f32 to vector<2000x128xf32>
    %max3A_32 = arith.maximumf %add3A_30, %max3A_31 : vector<2000x128xf32>
    %get3A_33 = arith.constant 0 : index
    %get3A_34 = arith.constant 0 : index
    %get3A_35 = vector.load %arg6[%get3A_33, %get3A_34] : memref<128x128xf32, #tpu.memory_space<vmem>>, vector<128x128xf32>
    %dot_general3A_36 = arith.constant dense<0.000000e+00> : vector<2000x128xf32>
    %dot_general3A_37 = tpu.matmul %max3A_32, %get3A_35, %dot_general3A_36 {dimension_numbers = #tpu.dot_dimension_numbers<[1], [0], [0], [1], [0, 0, 1, 1], [], []>, transpose_lhs_hint = false} : vector<2000x128xf32>, vector<128x128xf32>, vector<2000x128xf32> -> vector<2000x128xf32>
    %get3A_38 = arith.constant 0 : index
    %get3A_39 = arith.constant 0 : index
    %get3A_40 = vector.load %arg7[%get3A_38, %get3A_39] : memref<1x128xf32, #tpu.memory_space<vmem>>, vector<1x128xf32>
    %add3A_41 = vector.broadcast %get3A_40 : vector<1x128xf32> to vector<2000x128xf32>
    %add3A_42 = arith.addf %dot_general3A_37, %add3A_41 : vector<2000x128xf32>
    %max3A_43 = arith.constant 0.000000e+00 : f32
    %max3A_44 = vector.broadcast %max3A_43 : f32 to vector<2000x128xf32>
    %max3A_45 = arith.maximumf %add3A_42, %max3A_44 : vector<2000x128xf32>
    %get3A_46 = arith.constant 0 : index
    %get3A_47 = arith.constant 0 : index
    %get3A_48 = vector.load %arg8[%get3A_46, %get3A_47] : memref<128x128xf32, #tpu.memory_space<vmem>>, vector<128x128xf32>
    %dot_general3A_49 = arith.constant dense<0.000000e+00> : vector<2000x128xf32>
    %dot_general3A_50 = tpu.matmul %max3A_45, %get3A_48, %dot_general3A_49 {dimension_numbers = #tpu.dot_dimension_numbers<[1], [0], [0], [1], [0, 0, 1, 1], [], []>, transpose_lhs_hint = false} : vector<2000x128xf32>, vector<128x128xf32>, vector<2000x128xf32> -> vector<2000x128xf32>
    %get3A_51 = arith.constant 0 : index
    %get3A_52 = arith.constant 0 : index
    %get3A_53 = vector.load %arg9[%get3A_51, %get3A_52] : memref<1x128xf32, #tpu.memory_space<vmem>>, vector<1x128xf32>
    %add3A_54 = vector.broadcast %get3A_53 : vector<1x128xf32> to vector<2000x128xf32>
    %add3A_55 = arith.addf %dot_general3A_50, %add3A_54 : vector<2000x128xf32>
    %reduce_sum3A = arith.constant dense<0.000000e+00> : vector<2000xf32>
    %reduce_sum3A_56 = vector.multi_reduction <add>, %add3A_55, %reduce_sum3A [1] : vector<2000x128xf32> to vector<2000xf32>
    %broadcast_in_dim3A = vector.shape_cast %reduce_sum3A_56 : vector<2000xf32> to vector<2000x1xf32>
    %div3A = arith.constant 1.280000e+02 : f32
    %div3A_57 = vector.broadcast %div3A : f32 to vector<2000x1xf32>
    %div3A_58 = arith.divf %broadcast_in_dim3A, %div3A_57 : vector<2000x1xf32>
    %sub3A = vector.broadcast %div3A_58 : vector<2000x1xf32> to vector<2000x128xf32>
    %sub3A_59 = arith.subf %add3A_55, %sub3A : vector<2000x128xf32>
    %mul3A = arith.mulf %sub3A_59, %sub3A_59 : vector<2000x128xf32>
    %reduce_sum3A_60 = arith.constant dense<0.000000e+00> : vector<2000xf32>
    %reduce_sum3A_61 = vector.multi_reduction <add>, %mul3A, %reduce_sum3A_60 [1] : vector<2000x128xf32> to vector<2000xf32>
    %broadcast_in_dim3A_62 = vector.shape_cast %reduce_sum3A_61 : vector<2000xf32> to vector<2000x1xf32>
    %div3A_63 = arith.constant 1.280000e+02 : f32
    %div3A_64 = vector.broadcast %div3A_63 : f32 to vector<2000x1xf32>
    %div3A_65 = arith.divf %broadcast_in_dim3A_62, %div3A_64 : vector<2000x1xf32>
    %add3A_66 = arith.constant 9.99999974E-6 : f32
    %add3A_67 = vector.broadcast %add3A_66 : f32 to vector<2000x1xf32>
    %add3A_68 = arith.addf %div3A_65, %add3A_67 : vector<2000x1xf32>
    %rsqrt3A = math.rsqrt %add3A_68 : vector<2000x1xf32>
    %mul3A_69 = vector.broadcast %rsqrt3A : vector<2000x1xf32> to vector<2000x128xf32>
    %mul3A_70 = arith.mulf %sub3A_59, %mul3A_69 : vector<2000x128xf32>
    %get3A_71 = arith.constant 0 : index
    %get3A_72 = arith.constant 0 : index
    %get3A_73 = vector.load %arg10[%get3A_71, %get3A_72] : memref<1x128xf32, #tpu.memory_space<vmem>>, vector<1x128xf32>
    %mul3A_74 = vector.broadcast %get3A_73 : vector<1x128xf32> to vector<2000x128xf32>
    %mul3A_75 = arith.mulf %mul3A_70, %mul3A_74 : vector<2000x128xf32>
    %get3A_76 = arith.constant 0 : index
    %get3A_77 = arith.constant 0 : index
    %get3A_78 = vector.load %arg11[%get3A_76, %get3A_77] : memref<1x128xf32, #tpu.memory_space<vmem>>, vector<1x128xf32>
    %add3A_79 = vector.broadcast %get3A_78 : vector<1x128xf32> to vector<2000x128xf32>
    %add3A_80 = arith.addf %mul3A_75, %add3A_79 : vector<2000x128xf32>
    %add3A_81 = arith.addf %add3A_80, %get3A_1 : vector<2000x128xf32>
    %swap3A = arith.constant 0 : index
    %swap3A_82 = arith.constant 0 : index
    %swap3A_83 = vector.load %arg12[%swap3A, %swap3A_82] : memref<2000x128xf32, #tpu.memory_space<vmem>>, vector<2000x128xf32>
    tpu.vector_store %arg12[%swap3A, %swap3A_82], %add3A_81 {strides = array<i32>} : memref<2000x128xf32, #tpu.memory_space<vmem>>, vector<2000x128xf32>,
    return
  }
  func.func @transform_0(%arg0: i32) -> (i32, i32) {
    %c0_i32 = arith.constant 0 : i32
    %c0_i32_0 = arith.constant 0 : i32
    return %arg0, %c0_i32 : i32, i32
  }
  func.func @transform_1(%arg0: i32) -> (i32, i32, i32) {
    %c0_i32 = arith.constant 0 : i32
    %c0_i32_0 = arith.constant 0 : i32
    %c0_i32_1 = arith.constant 0 : i32
    return %c0_i32, %arg0, %c0_i32_0 : i32, i32, i32
  }
  func.func @transform_2(%arg0: i32) -> (i32, i32, i32) {
    %c0_i32 = arith.constant 0 : i32
    %c0_i32_0 = arith.constant 0 : i32
    %c0_i32_1 = arith.constant 0 : i32
    %c0_i32_2 = arith.constant 0 : i32
    return %c0_i32, %c0_i32_0, %c0_i32_1 : i32, i32, i32
  }
  func.func @transform_3(%arg0: i32) -> (i32, i32, i32) {
    %c1_i32 = arith.constant 1 : i32
    %c0_i32 = arith.constant 0 : i32
    %c0_i32_0 = arith.constant 0 : i32
    %c0_i32_1 = arith.constant 0 : i32
    return %c1_i32, %c0_i32, %c0_i32_0 : i32, i32, i32
  }
  func.func @transform_4(%arg0: i32) -> (i32, i32) {
    %c0_i32 = arith.constant 0 : i32
    %c0_i32_0 = arith.constant 0 : i32
    %c0_i32_1 = arith.constant 0 : i32
    return %c0_i32, %c0_i32_0 : i32, i32
  }
  func.func @transform_5(%arg0: i32) -> (i32, i32) {
    %c0_i32 = arith.constant 0 : i32
    %c0_i32_0 = arith.constant 0 : i32
    %c0_i32_1 = arith.constant 0 : i32
    return %c0_i32, %c0_i32_0 : i32, i32
  }
  func.func @transform_6(%arg0: i32) -> (i32, i32) {
    %c0_i32 = arith.constant 0 : i32
    %c0_i32_0 = arith.constant 0 : i32
    %c0_i32_1 = arith.constant 0 : i32
    return %c0_i32, %c0_i32_0 : i32, i32
  }
  func.func @transform_7(%arg0: i32) -> (i32, i32) {
    %c0_i32 = arith.constant 0 : i32
    %c0_i32_0 = arith.constant 0 : i32
    %c0_i32_1 = arith.constant 0 : i32
    return %c0_i32, %c0_i32_0 : i32, i32
  }
  func.func @transform_8(%arg0: i32) -> (i32, i32) {
    %c0_i32 = arith.constant 0 : i32
    %c0_i32_0 = arith.constant 0 : i32
    %c0_i32_1 = arith.constant 0 : i32
    return %c0_i32, %c0_i32_0 : i32, i32
  }
  func.func @transform_9(%arg0: i32) -> (i32, i32) {
    %c0_i32 = arith.constant 0 : i32
    %c0_i32_0 = arith.constant 0 : i32
    %c0_i32_1 = arith.constant 0 : i32
    return %c0_i32, %c0_i32_0 : i32, i32
  }
  func.func @transform_10(%arg0: i32) -> (i32, i32) {
    %c0_i32 = arith.constant 0 : i32
    %c0_i32_0 = arith.constant 0 : i32
    %c0_i32_1 = arith.constant 0 : i32
    return %c0_i32, %c0_i32_0 : i32, i32
  }
  func.func @transform_11(%arg0: i32) -> (i32, i32) {
    %c0_i32 = arith.constant 0 : i32
    %c0_i32_0 = arith.constant 0 : i32
    return %arg0, %c0_i32 : i32, i32
  }
}

</mosaic_0001>

<sc_bundles>
// kernel: kernel.4.cloned.1.call-start
scs
__scs_entry_jumppad:
0x0: {  	(pc) =	sbr.rel $0x88, $3  }
0x1: {  	(tag) =	ssettag $0x0;
	lr =	simm.s32 $0x1  }
0x2: {  	[smem:$0x3F96] =	sst lr;
	_ =	strace $0xD0000000  }
0x3: {  	_ = 	snop  }
0x4: {  	_ = 	snop  }
0x5: {  	_ = 	snop  }
0x6: {  	_ = 	snop  }
0x7: {  	_ = 	snop  }
__scs_overlays_trampoline_lowered:
0x8: {  	[smem:$0x3FA5] =	sst s0  }
0x9: {  	[smem:$0x3FA6] =	sst s1  }
0xa: {  	[smem:$0x3FA7] =	sst s2  }
0xb: {  	[smem:$0x3FA8] =	sst s3  }
0xc: {  	[smem:$0x3FA9] =	sst s4  }
0xd: {  	[smem:$0x3FAA] =	sst s5  }
0xe: {  	[smem:$0x3FAB] =	sst s6  }
0xf: {  	[smem:$0x3FAC] =	sst s7  }
0x10: {  	[smem:$0x3FAD] =	sst s8  }
0x11: {  	[smem:$0x3FAE] =	sst s9;
	s0 =	simm.s32 @!p0 $0x0  }
0x12: {  	s1 =	sld [smem:$0x3F94];
	s0 =	simm.s32 @p0 $0x1  }
0x13: {  	[smem:$0x3FAF] =	sst s0;
	s0 =	simm.s32 @!p1 $0x0  }
0x14: {  	s2 =	sld [smem:$0x3F93];
	s0 =	simm.s32 @p1 $0x1  }
0x15: {  	[smem:$0x3FB0] =	sst s0;
	s0 =	simm.s32 @!p2 $0x0  }
0x16: {  	s3 =	sld [smem:$0x3FDB];
	s0 =	simm.s32 @p2 $0x1  }
0x17: {  	s4 =	simm.s32 $0x1BF5;
	[smem:$0x3FB2] =	sst s0  }
0x18: {  	s0 =	sld [smem:$0x3F95];
	_ =	swait.ge [sflag:s4], $0x0  }
0x19: {  	s7 =	sld [smem:$0x3F96]  }
0x1a: {  	s8 =	sadd.s32 $0xFFFFE003, lr  }
0x1b: {  	s9 =	sadd.s32 $0xFFFFFEF7, lr;
	s5 =	simm.s32 $0xFFFFFFFF;
	p2 =	slt.u32 s8, $0xFFFFF086  }
0x1c: {  	p1 =	slt.u32 s9, $0xF7A;
	s5 =	simm.s32 @!p2 $0x0  }
0x1d: {  	s5 =	simm.s32 @p1 $0x1;
	p0 =	seq.s32 s7, s2  }
0x1e: {  	s7 =	smul.u32 @!p0 $0xF7A, s2;
	p2 =	seq.s32 @!p0 s5, $0x0  }
0x1f: {  	s9 =	smul.u32 $0xF7A, s1;
	s8 =	simm.s32 @!p0 $0x1BF5;
	p2 =	por !p2, p0  }
0x20: {  	[sflag:s8] =	ssyncset.s32 @!p0 $0xFFFFF086;
	s6 =	sadd.s32 @!p0 s3, s7;
	s7 =	simm.s32 @!p0 $0x108  }
0x21: {  	s3 =	sadd.s32 s3, s9;
	s6 =	sadd.s32 @!p0 $0x88, s6;
	s7 =	simm.s32 @p2 $0x1082  }
0x22: {  	[simem:s7], [sflag:s8] =	dma.local @!p0 [hbm:s6], $0xF7A  }
0x23: {  	s9 =	sor.u32 $0xD0000000, s2;
	s6 =	simm.s32 $0x108;
	_ =	swait.ge @!p0 [sflag:s8], $0x0  }
0x24: {  	s3 =	sadd.s32 $0x88, s3;
	s6 =	simm.s32 @!p1 $0x1082;
	[sflag:s4] =	ssyncset.s32 $0xFFFFF086  }
0x25: {  	[simem:s6], [sflag:s4] =	dma.local [hbm:s3], $0xF7A  }
0x26: {  	[smem:$0x3F96] =	sst s1;
	(tag) =	ssettag s2;
	_ =	strace s9  }
0x27: {  	s1 =	sld [smem:$0x3FA6]  }
0x28: {  	s2 =	sld [smem:$0x3FA7]  }
0x29: {  	s4 =	sld [smem:$0x3FA9]  }
0x2a: {  	p0 =	seq.s32 s5, $0x0;
	s5 =	sld [smem:$0x3FAA]  }
0x2b: {  	s6 =	sld [smem:$0x3FAB]  }
0x2c: {  	s7 =	sld [smem:$0x3FAC]  }
0x2d: {  	s3 =	simm.s32 $0x108;
	s8 =	sld [smem:$0x3FAD]  }
0x2e: {  	s3 =	simm.s32 @!p0 $0x1082;
	s9 =	sld [smem:$0x3FAE]  }
0x2f: {  	lr =	sadd.s32 s0, s3;
	s0 =	sld [smem:$0x3FA5]  }
0x30: {  	s3 =	sld [smem:$0x3FA8]  }
0x31: {  	[smem:$0x3FB1] =	sst s10  }
0x32: {  	s10 =	sld [smem:$0x3FAF];
	_ =	sdelay $0x3  }
0x33: {  	p0 =	seq.s32 s10, $0x1;
	s10 =	sld [smem:$0x3FB1];
	_ =	sdelay $0x3  }
0x34: {  	[smem:$0x3FB1] =	sst s10  }
0x35: {  	s10 =	sld [smem:$0x3FB0];
	_ =	sdelay $0x3  }
0x36: {  	p1 =	seq.s32 s10, $0x1;
	s10 =	sld [smem:$0x3FB1];
	_ =	sdelay $0x3  }
0x37: {  	[smem:$0x3FB1] =	sst s10  }
0x38: {  	s10 =	sld [smem:$0x3FB2]  }
0x39: {  	_ = 	snop;
	(pc) =	sbr.ind lr, $3  }
0x3a: {  	_ = 	snop  }
0x3b: {  	_ = 	snop  }
0x3c: {  	p2 =	seq.s32 s10, $0x1;
	s10 =	sld [smem:$0x3FB1]  }
0x3d: {  	_ =	shalt  }
0x3e: {  	_ =	shalt  }
0x3f: {  	_ =	shalt  }
0x40: {  	_ =	shalt  }
0x41: {  	_ =	shalt  }
0x42: {  	_ =	shalt  }
0x43: {  	_ =	shalt  }
0x44: {  	_ =	shalt  }
0x45: {  	_ =	shalt  }
0x46: {  	_ =	shalt  }
0x47: {  	_ =	shalt  }
0x48: {  	_ =	shalt  }
0x49: {  	_ =	shalt  }
0x4a: {  	_ =	shalt  }
0x4b: {  	_ =	shalt  }
0x4c: {  	_ =	shalt  }
0x4d: {  	_ =	shalt  }
0x4e: {  	_ =	shalt  }
0x4f: {  	_ =	shalt  }
0x50: {  	_ =	shalt  }
0x51: {  	_ =	shalt  }
0x52: {  	_ =	shalt  }
0x53: {  	_ =	shalt  }
0x54: {  	_ =	shalt  }
0x55: {  	_ =	shalt  }
0x56: {  	_ =	shalt  }
0x57: {  	_ =	shalt  }
0x58: {  	_ =	shalt  }
0x59: {  	_ =	shalt  }
0x5a: {  	_ =	shalt  }
0x5b: {  	_ =	shalt  }
0x5c: {  	_ =	shalt  }
0x5d: {  	_ =	shalt  }
0x5e: {  	_ =	shalt  }
0x5f: {  	_ =	shalt  }
0x60: {  	_ =	shalt  }
0x61: {  	_ =	shalt  }
0x62: {  	_ =	shalt  }
0x63: {  	_ =	shalt  }
0x64: {  	_ =	shalt  }
0x65: {  	_ =	shalt  }
0x66: {  	_ =	shalt  }
0x67: {  	_ =	shalt  }
0x68: {  	_ =	shalt  }
0x69: {  	_ =	shalt  }
0x6a: {  	_ =	shalt  }
0x6b: {  	_ =	shalt  }
0x6c: {  	_ =	shalt  }
0x6d: {  	_ =	shalt  }
0x6e: {  	_ =	shalt  }
0x6f: {  	_ =	shalt  }
0x70: {  	_ =	shalt  }
0x71: {  	_ =	shalt  }
0x72: {  	_ =	shalt  }
0x73: {  	_ =	shalt  }
0x74: {  	_ =	shalt  }
0x75: {  	_ =	shalt  }
0x76: {  	_ =	shalt  }
0x77: {  	_ =	shalt  }
0x78: {  	_ =	shalt  }
0x79: {  	_ =	shalt  }
0x7a: {  	_ =	shalt  }
0x7b: {  	_ =	shalt  }
0x7c: {  	_ =	shalt  }
0x7d: {  	_ =	shalt  }
0x7e: {  	_ =	shalt  }
0x7f: {  	_ =	shalt  }
0x80: {  	_ =	shalt  }
0x81: {  	_ =	shalt  }
0x82: {  	_ =	shalt  }
0x83: {  	_ =	shalt  }
0x84: {  	_ =	shalt  }
0x85: {  	_ =	shalt  }
0x86: {  	_ =	shalt  }
0x87: {  	_ =	shalt  }
.Lfunc_end0:
.L_simem_size_0:
called_computation_lowered:
.L_overlay_start_0:
0x88: {  	s2 =	sld [smem:$0x3FD9]  }
0x89: {  	s3 =	sld [smem:$0x3FFE];
	_ =	sdelay $0x1  }
0x8a: {  	s1 =	srdreg.scid  }
0x8b: {  	s0 =	sand.u32 $0x1, s1  }
0x8c: {  	s17 =	sshll.u32 s0, $0xA;
	s2 =	sadd.s32 s3, s2  }
0x8d: {  	s2 =	sadd.s32 s2, s17  }
0x8e: {  	[smem:$0x3FBD] =	sst s2  }
0x8f: {  	_ = 	snop  }
0x90: {  	s2 =	sld [smem:$0x3FC7]  }
0x91: {  	s18 =	sld [smem:$0x3FD0];
	(tm) =	ssettm $0x1  }
0x92: {  	s4 =	sld [smem:$0x3FFB];
	_ =	sdelay $0x3  }
0x93: {  	_ =	strace s4  }
0x94: {  	s4 =	sld [smem:$0x3FFC];
	_ =	sdelay $0x3  }
0x95: {  	_ =	strace s4  }
0x96: {  	s4 =	sld [smem:$0x3FFD];
	_ =	sdelay $0x3  }
0x97: {  	_ =	strace s4  }
0x98: {  	_ =	strace $0x8FFFFFFF  }
0x99: {  	s19 =	sld [smem:$0x3FDB];
	_ =	sdelay $0x1  }
0x9a: {  	s5 =	simm.s32 $_scs_section_size  }
0x9b: {  	s6 =	simm.s32 $_size__tile_overlayer_lowered;
	s7 =	simm.s32 $_tile_overlayer_lowered  }
0x9c: {  	s22 =	simm.s32 $0x1BFF;
	s21 =	sshll.u32 s7, $0x1;
	s4 =	sadd.s32 s5, s19  }
0x9d: {  	s8 =	simm.s32 $0x0;
	s20 =	sshll.u32 s6, $0x1;
	s6 =	sadd.s32 s21, s4  }
0x9e: {  	[timem:s8], [sflag:s22] =	dma.local [hbm:s6], s20  }
0x9f: {  	_ =	swait.ge [sflag:s22], s20  }
0xa0: {  	s5 =	ssub.s32 $0x0, s20;
	[sflag:s22] =	ssyncset.done $0x0  }
0xa1: {  	[sflag:s22] =	ssyncadd.s32 s5;
	_ =	sdelay $0x1  }
0xa2: {  	s23 =	simm.s32 $0x1B8B  }
0xa3: {  	_ =	swait.ge [sflag:s23], $0x1  }
0xa4: {  	[sflag:s23] =	ssyncset.done $0x0  }
0xa5: {  	s25 =	simm.s32 $0x1B8E;
	s24 =	sld [smem:$0x3FFE];
	[sflag:s23] =	ssyncadd.s32 $0xFFFFFFFF  }
0xa6: {  	s26 =	simm.s32 $execute0_lowered;
	[smem:$0x3FD2] =	sst s25  }
0xa7: {  	s6 =	sshll.u32 s26, $0x1;
	_ =	strace $0x80000046;
	[dreg:$0x1] =	wrdreg $0xFFFFFFFF  }
0xa8: {  	s28 =	simm.s32 $_size_execute0_lowered;
	s4 =	sadd.s32 s4, s6;
	[dreg:$0x0] =	wrdreg $0x0  }
0xa9: {  	s6 =	sshll.u32 s28, $0x1;
	[dreg:$0x2] =	wrdreg s4  }
0xaa: {  	[dreg:$0x3] =	wrdreg s6  }
0xab: {  	[dreg:$0x4] =	wrdreg $0xC0  }
0xac: {  	_ =	task [dreg:s8], $0x5FFFF  }
0xad: {  	[dreg:$0x1] =	wrdreg $0xFFFFFFFF  }
0xae: {  	[dreg:$0x0] =	wrdreg $0x60  }
0xaf: {  	[dreg:$0x2] =	wrdreg s2  }
0xb0: {  	[dreg:$0x3] =	wrdreg s18  }
0xb1: {  	[dreg:$0x4] =	wrdreg s24  }
0xb2: {  	[dreg:$0x5] =	wrdreg $0xB8000  }
0xb3: {  	[dreg:$0x6] =	wrdreg $0x9  }
0xb4: {  	_ =	task.clear_ibuf [dreg:s8], $0x7FFFF;
	_ =	strace $0x90000046  }
0xb5: {  	s29 =	simm.s32 $0x9;
	_ =	strace $0x80000048  }
0xb6: {  	_ =	swait.ge [sflag:s29], $0x1  }
0xb7: {  	[sflag:s29] =	ssyncadd.s32 $0xFFFFFFFF  }
0xb8: {  	_ =	strace $0x90000048  }
0xb9: {  	_ =	sfence  }
0xba: {  	s30 =	sld [smem:$0x0];
	_ =	sdelay $0x2  }
0xbb: {  	s31 =	sshll.u32 s1, $0xD;
	s1 =	sshrl.u32 s1, $0x2  }
0xbc: {  	s3 =	sand.u32 $0x4000, s31;
	s1 =	sadd.s32 s1, s30  }
0xbd: {  	s0 =	sor.u32 s3, s0;
	s1 =	sshll.u32 s1, $0x11  }
0xbe: {  	s0 =	sor.u32 s1, s0  }
0xbf: {  	s0 =	sadd.s32 $0x8F2B, s0  }
0xc0: {  	[sflag:s0] =	ssyncadd.remote.s32 $0x1  }
0xc1: {  	_ =	sfence.sel $0xFFFF  }
0xc2: {  	[dreg:$0x0] =	wrdreg $0xFFFFFFFF;
	(pc) =	sbr.abs _section_cstart, $3  }
0xc3: {  	[dreg:$0x1] =	wrdreg $0xFFFFFFFF  }
0xc4: {  	_ =	task.clear_ibuf [dreg:s8], $0x2FFFF;
	_ =	strace $0x9FFFFFFF  }
0xc5: {  	(tm) =	ssettm $0x7FFFFFFF  }
tec
execute0_lowered:
.L_overlay_start_1:
0x0: {  	(tag) =	ssettag $0x1  }
0x1: {  	s0 =	rddreg [dreg:$0x0]  }
0x2: {  	s3 =	rddreg [dreg:$0x1]  }
0x3: {  	s4 =	rddreg [dreg:$0x2];
	s22 =	stileid.u32  }
0x4: {  	s1 =	rddreg [dreg:$0x3];
	s2 =	simm.s32 $0x0;
	s13 =	smul.u32 $0x280, s22  }
0x5: {  	s5 =	srdreg.scid;
	s29 =	simm.s32 $0x4000;
	s18 =	smul.u32 $0x50000, s22  }
0x6: {  	s30 =	simm.s32 $0x6800;
	s31 =	simm.s32 $0x9000;
	s25 =	smul.u32 $0x27100, s22  }
0x7: {  	[smem:$0x7FF] =	sst s2;
	s5 =	sand.u32 $0x1, s5;
	s26 =	smul.u32 $0x2800, s22  }
0x8: {  	s6 =	smul.u32 $0x28000, s5;
	s7 =	sshll.u32 s5, $0x4;
	_ =	strace $0x80000047  }
0x9: {  	s16 =	ssub.s32 $0x2, s5;
	s5 =	smul.u32 $0x271000, s5;
	s7 =	sor.u32 s22, s7  }
0xa: {  	s9 =	sshrl.u32 s16, $0x1;
	s15 =	sor.u32 $0x50, s13;
	s19 =	sshrl.u32 s18, $0x2  }
0xb: {  	s18 =	sadd.s32 $0x190, s13;
	s4 =	sadd.s32 s6, s4;
	s8 =	smul.u32 $0x27100, s7  }
0xc: {  	s10 =	sshll.u32 s7, $0xB;
	s7 =	smul.u32 $0x138800, s7;
	s6 =	ssub.s32 s16, s9  }
0xd: {  	s20 =	sshll.u32 s15, $0x7;
	s16 =	sadd.s32 $0xF0, s13;
	s12 =	sshll.u32 s18, $0x7  }
0xe: {  	s15 =	sshll.u32 s15, $0x4;
	s18 =	sshll.u32 s18, $0x4;
	s3 =	sadd.s32 s10, s3  }
0xf: {  	s24 =	sshll.u32 s16, $0x7;
	s12 =	sadd.s32 s12, s1;
	s4 =	sadd.s32 $0x1800, s4  }
0x10: {  	s16 =	sshll.u32 s16, $0x4;
	s6 =	smax.u32 s6, $0x1;
	s3 =	sadd.s32 $0x10000, s3  }
0x11: {  	s17 =	sshrl.u32 s7, $0x3;
	s23 =	sadd.s32 s0, s8;
	s7 =	sadd.s32 s19, s1  }
0x12: {  	s8 =	sadd.s32 s20, s1;
	s10 =	sadd.s32 s24, s1;
	s19 =	sadd.s32 $0x1E0, s13  }
0x13: {  	s20 =	sadd.s32 $0x230, s13;
	[dreg:$0x7] =	wrdreg s6;
	s15 =	sadd.s32 s15, s4  }
0x14: {  	s16 =	sadd.s32 s16, s4;
	s22 =	sadd.s32 s18, s4;
	s6 =	simm.s32 $0x50  }
0x15: {  	s18 =	simm.s32 $0x6;
	[dreg:$0x5] =	wrdreg s3;
	s3 =	sadd.s32 s0, s17  }
0x16: {  	s17 =	sadd.s32 $0x140, s13;
	s14 =	sshll.u32 s19, $0x7;
	[dreg:$0x9] =	wrdreg s15  }
0x17: {  	s0 =	sadd.s32 s5, s0;
	s19 =	sshll.u32 s19, $0x4;
	[dreg:$0xb] =	wrdreg s16  }
0x18: {  	s5 =	sadd.s32 s26, s4;
	[dreg:$0xd] =	wrdreg s22;
	s26 =	sadd.s32 $0xA00, s23  }
0x19: {  	s28 =	sadd.s32 $0x1400, s23;
	s15 =	simm.s32 $0x4;
	s16 =	simm.s32 $0x3  }
0x1a: {  	s3 =	sadd.s32 $0x500, s3;
	s11 =	sshll.u32 s17, $0x7;
	s0 =	sadd.s32 s25, s0  }
0x1b: {  	s17 =	sshll.u32 s17, $0x4;
	[dreg:$0x8] =	wrdreg s5;
	s24 =	sadd.s32 s19, s4  }
0x1c: {  	[dreg:$0x10] =	wrdreg s26;
	s26 =	sadd.s32 $0xF00, s23;
	s5 =	simm.s32 $0x2  }
0x1d: {  	s19 =	simm.s32 $0x0;
	[dreg:$0x6] =	wrdreg s3;
	s3 =	sadd.s32 $0xA0, s13  }
0x1e: {  	s11 =	sadd.s32 s11, s1;
	s13 =	sadd.s32 s14, s1;
	[dreg:$0xe] =	wrdreg s24  }
0x1f: {  	s24 =	smov.u32 s23;
	s21 =	sshll.u32 s3, $0x7;
	s3 =	sshll.u32 s3, $0x4  }
0x20: {  	s9 =	sadd.s32 s21, s1;
	s21 =	sshll.u32 s20, $0x7;
	s3 =	sadd.s32 s3, s4  }
0x21: {  	s20 =	sshll.u32 s20, $0x4;
	s14 =	sadd.s32 s21, s1;
	[dreg:$0xa] =	wrdreg s3  }
0x22: {  	s21 =	sadd.s32 s17, s4;
	s25 =	sadd.s32 s20, s4;
	s3 =	simm.s32 $0x7  }
0x23: {  	s4 =	simm.s32 $0x1;
	s17 =	simm.s32 $0x5;
	[dreg:$0xc] =	wrdreg s21  }
0x24: {  	v0 =	vimm.f32 $0.0e+00;
	[dreg:$0xf] =	wrdreg s25;
	s25 =	sadd.s32 $0x1900, s0;
	s0 =	simm.s32 $0x8  }
.LBB2_1:
0x25: {  	s20 =	rddreg [dreg:$0x5]  }
0x26: {  	[tilespmem:s2], [sflag:$0x7] =	stream.linear.gather [hbm4b:s20+s2], $0x3E80, $0x38;
	[tilespmem:$0x1F800] =	vst v63  }
0x27: {  	_ = 	snop  }
0x28: {  	[tilespmem:s29], [sflag:$0x1] =	stream.linear.gather [hbm4b:s24+s2], $0x2800, $0x38;
	[tilespmem:$0x1F800] =	vst v63  }
0x29: {  	s22 =	rddreg [dreg:$0x6];
	s23 =	sand.u32 $0xFE00, s2  }
0x2a: {  	[tilespmem:s30], [sflag:$0x2] =	stream.linear.gather [hbm4b:s22+s2], $0x2800, $0x38;
	[tilespmem:$0x1F800] =	vst v63  }
0x2b: {  	s21 =	sand.u32 $0x70, s2;
	s22 =	sshrl.u32 s23, $0x2  }
0x2c: {  	s20 =	simm.s32 $0x40;
	s22 =	sor.u32 s21, s22;
	s21 =	simm.s32 $0x0  }
.LBB2_2:
0x2d: {  	p0 =	sne.s32 s20, $0x9FC0  }
0x2e: {  	[tilespmem:s22+$0x9000] =	vst v0;
	s21 =	sadd.s32 $0x10, s21;
	s22 =	smov.u32 s20;
	s20 =	sadd.s32 $0x40, s20  }
.Ltmp0:
0x2f: {  	(pc) =	sbr.rel @p0 .LBB2_2-.Ltmp0, $4  }
0x30: {  	_ = 	snop  }
0x31: {  	s22 =	sand.u32 $0xFE00, s22  }
0x32: {  	s23 =	sand.u32 $0x70, s21;
	s22 =	sshrl.u32 s22, $0x2  }
0x33: {  	s22 =	sor.u32 s23, s22  }
0x34: {  	[tilespmem:s22+$0x9000] =	vst v0  }
0x35: {  	[spmem:s7] =	stream.linear.scatter [tilespmem:s31], [sflag:$0x8], $0x2800, $0x38;
	[tilespmem:$0x1F800] =	vst v63  }
0x36: {  	_ =	swait.ge [sflag:s0], $0x2800  }
0x37: {  	[sflag:s0] =	ssyncset.done $0x0  }
0x38: {  	[sflag:s0] =	ssyncadd.s32 $0xFFFFD800  }
0x39: {  	[spmem:s8] =	stream.linear.scatter [tilespmem:s31], [sflag:$0x8], $0x2800, $0x38;
	[tilespmem:$0x1F800] =	vst v63  }
0x3a: {  	_ =	swait.ge [sflag:s0], $0x2800  }
0x3b: {  	[sflag:s0] =	ssyncset.done $0x0  }
0x3c: {  	[sflag:s0] =	ssyncadd.s32 $0xFFFFD800  }
0x3d: {  	[spmem:s9] =	stream.linear.scatter [tilespmem:s31], [sflag:$0x8], $0x2800, $0x38;
	[tilespmem:$0x1F800] =	vst v63  }
0x3e: {  	_ =	swait.ge [sflag:s0], $0x2800  }
0x3f: {  	[sflag:s0] =	ssyncset.done $0x0  }
0x40: {  	[sflag:s0] =	ssyncadd.s32 $0xFFFFD800  }
0x41: {  	[spmem:s10] =	stream.linear.scatter [tilespmem:s31], [sflag:$0x8], $0x2800, $0x38;
	[tilespmem:$0x1F800] =	vst v63  }
0x42: {  	_ =	swait.ge [sflag:s0], $0x2800  }
0x43: {  	[sflag:s0] =	ssyncset.done $0x0  }
0x44: {  	[sflag:s0] =	ssyncadd.s32 $0xFFFFD800  }
0x45: {  	[spmem:s11] =	stream.linear.scatter [tilespmem:s31], [sflag:$0x8], $0x2800, $0x38;
	[tilespmem:$0x1F800] =	vst v63  }
0x46: {  	_ =	swait.ge [sflag:s0], $0x2800  }
0x47: {  	[sflag:s0] =	ssyncset.done $0x0  }
0x48: {  	[sflag:s0] =	ssyncadd.s32 $0xFFFFD800  }
0x49: {  	[spmem:s12] =	stream.linear.scatter [tilespmem:s31], [sflag:$0x8], $0x2800, $0x38;
	[tilespmem:$0x1F800] =	vst v63  }
0x4a: {  	_ =	swait.ge [sflag:s0], $0x2800  }
0x4b: {  	[sflag:s0] =	ssyncset.done $0x0  }
0x4c: {  	[sflag:s0] =	ssyncadd.s32 $0xFFFFD800  }
0x4d: {  	[spmem:s13] =	stream.linear.scatter [tilespmem:s31], [sflag:$0x8], $0x2800, $0x38;
	[tilespmem:$0x1F800] =	vst v63  }
0x4e: {  	_ =	swait.ge [sflag:s0], $0x2800  }
0x4f: {  	[sflag:s0] =	ssyncset.done $0x0  }
0x50: {  	[sflag:s0] =	ssyncadd.s32 $0xFFFFD800  }
0x51: {  	[spmem:s14] =	stream.linear.scatter [tilespmem:s31], [sflag:$0x8], $0x2800, $0x38;
	[tilespmem:$0x1F800] =	vst v63  }
0x52: {  	_ =	swait.ge [sflag:s0], $0x2800  }
0x53: {  	[sflag:s0] =	ssyncset.done $0x0  }
0x54: {  	[sflag:s0] =	ssyncadd.s32 $0xFFFFD800  }
0x55: {  	_ =	swait.ge [sflag:s3], $0x3E80  }
0x56: {  	[sflag:s3] =	ssyncset.done $0x0  }
0x57: {  	[sflag:s3] =	ssyncadd.s32 $0xFFFFC180  }
0x58: {  	[bflag:$0x0] =	sbarrier.arrive $0xFFFF  }
0x59: {  	_ =	swait.ge [sflag:s4], $0x2800  }
0x5a: {  	[sflag:s4] =	ssyncset.done $0x0  }
0x5b: {  	s20 =	simm.s32 $0x0;
	[sflag:s4] =	ssyncadd.s32 $0xFFFFD800  }
0x5c: {  	[spmem:s1] =	stream.indirect.scatter.add.f32 [tilespmem:s29], [sflag:$0x4], $0x80, s20, s6, $0xb8;
	[tilespmem:$0x1F800] =	vst v63  }
0x5d: {  	s21 =	rddreg [dreg:$0x10]  }
0x5e: {  	[tilespmem:s31], [sflag:$0x3] =	stream.linear.gather [hbm4b:s21+s20], $0x2800, $0x38;
	[tilespmem:$0x1F800] =	vst v63  }
0x5f: {  	_ =	swait.ge [sflag:s5], $0x2800  }
0x60: {  	[sflag:s5] =	ssyncset.done $0x0  }
0x61: {  	s23 =	simm.s32 $0x80;
	[sflag:s5] =	ssyncadd.s32 $0xFFFFD800  }
0x62: {  	[spmem:s1] =	stream.indirect.scatter.add.f32 [tilespmem:s30], [sflag:$0x5], $0x80, s23, s6, $0xb8;
	[tilespmem:$0x1F800] =	vst v63  }
0x63: {  	_ =	swait.ge [sflag:s15], $0x2800  }
0x64: {  	[sflag:s15] =	ssyncset.done $0x0  }
0x65: {  	[sflag:s15] =	ssyncadd.s32 $0xFFFFD800  }
0x66: {  	[tilespmem:s29], [sflag:$0x1] =	stream.linear.gather [hbm4b:s26+s20], $0x2800, $0x38;
	[tilespmem:$0x1F800] =	vst v63  }
0x67: {  	_ =	swait.ge [sflag:s16], $0x2800  }
0x68: {  	[sflag:s16] =	ssyncset.done $0x0  }
0x69: {  	s22 =	simm.s32 $0x100;
	[sflag:s16] =	ssyncadd.s32 $0xFFFFD800  }
0x6a: {  	[spmem:s1] =	stream.indirect.scatter.add.f32 [tilespmem:s31], [sflag:$0x6], $0x80, s22, s6, $0xb8;
	[tilespmem:$0x1F800] =	vst v63  }
0x6b: {  	_ =	swait.ge [sflag:s17], $0x2800  }
0x6c: {  	[sflag:s17] =	ssyncset.done $0x0  }
0x6d: {  	[sflag:s17] =	ssyncadd.s32 $0xFFFFD800  }
0x6e: {  	[tilespmem:s30], [sflag:$0x2] =	stream.linear.gather [hbm4b:s28+s20], $0x2800, $0x38;
	[tilespmem:$0x1F800] =	vst v63  }
0x6f: {  	_ =	swait.ge [sflag:s4], $0x2800  }
0x70: {  	[sflag:s4] =	ssyncset.done $0x0  }
0x71: {  	s23 =	simm.s32 $0x180;
	[sflag:s4] =	ssyncadd.s32 $0xFFFFD800  }
0x72: {  	[spmem:s1] =	stream.indirect.scatter.add.f32 [tilespmem:s29], [sflag:$0x4], $0x80, s23, s6, $0xb8;
	[tilespmem:$0x1F800] =	vst v63  }
0x73: {  	_ =	swait.ge [sflag:s18], $0x2800  }
0x74: {  	[sflag:s18] =	ssyncset.done $0x0  }
0x75: {  	[sflag:s18] =	ssyncadd.s32 $0xFFFFD800  }
0x76: {  	[tilespmem:s31], [sflag:$0x3] =	stream.linear.gather [hbm4b:s25+s2], $0x2800, $0x38;
	[tilespmem:$0x1F800] =	vst v63  }
0x77: {  	_ =	swait.ge [sflag:s5], $0x2800  }
0x78: {  	[sflag:s5] =	ssyncset.done $0x0  }
0x79: {  	s21 =	simm.s32 $0x200;
	[sflag:s5] =	ssyncadd.s32 $0xFFFFD800  }
0x7a: {  	[spmem:s1] =	stream.indirect.scatter.add.f32 [tilespmem:s30], [sflag:$0x5], $0x80, s21, s6, $0xb8;
	[tilespmem:$0x1F800] =	vst v63  }
0x7b: {  	_ =	swait.ge [sflag:s15], $0x2800  }
0x7c: {  	[sflag:s15] =	ssyncset.done $0x0  }
0x7d: {  	s22 =	sadd.s32 $0x500, s25;
	[sflag:s15] =	ssyncadd.s32 $0xFFFFD800  }
0x7e: {  	[tilespmem:s29], [sflag:$0x1] =	stream.linear.gather [hbm4b:s22+s2], $0x2800, $0x38;
	[tilespmem:$0x1F800] =	vst v63  }
0x7f: {  	_ =	swait.ge [sflag:s16], $0x2800  }
0x80: {  	[sflag:s16] =	ssyncset.done $0x0  }
0x81: {  	s23 =	simm.s32 $0x280;
	[sflag:s16] =	ssyncadd.s32 $0xFFFFD800  }
0x82: {  	[spmem:s1] =	stream.indirect.scatter.add.f32 [tilespmem:s31], [sflag:$0x6], $0x80, s23, s6, $0xb8;
	[tilespmem:$0x1F800] =	vst v63  }
0x83: {  	_ =	swait.ge [sflag:s17], $0x2800  }
0x84: {  	s20 =	simm.s32 $0x600;
	[sflag:s17] =	ssyncset.done $0x0  }
0x85: {  	s21 =	sadd.s32 $0xF00, s25;
	s22 =	sadd.s32 $0xA00, s25;
	[sflag:s17] =	ssyncadd.s32 $0xFFFFD800  }
.LBB2_4:
0x86: {  	[tilespmem:s30], [sflag:$0x2] =	stream.linear.gather [hbm4b:s22+s2], $0x2800, $0x38;
	[tilespmem:$0x1F800] =	vst v63  }
0x87: {  	s22 =	smov.u32 s20  }
0x88: {  	p0 =	sne.s32 s20, $0xEA00;
	s20 =	sadd.s32 $0x600, s20;
	_ =	swait.ge [sflag:s4], $0x2800  }
0x89: {  	s22 =	sshra.s32 s22, $0x2;
	[sflag:s4] =	ssyncset.done $0x0  }
0x8a: {  	s23 =	sadd.s32 $0x180, s22;
	[sflag:s4] =	ssyncadd.s32 $0xFFFFD800  }
0x8b: {  	[spmem:s1] =	stream.indirect.scatter.add.f32 [tilespmem:s29], [sflag:$0x4], $0x80, s23, s6, $0xb8;
	[tilespmem:$0x1F800] =	vst v63  }
0x8c: {  	_ =	swait.ge [sflag:s18], $0x2800  }
0x8d: {  	[sflag:s18] =	ssyncset.done $0x0  }
0x8e: {  	[sflag:s18] =	ssyncadd.s32 $0xFFFFD800  }
0x8f: {  	[tilespmem:s31], [sflag:$0x3] =	stream.linear.gather [hbm4b:s21+s2], $0x2800, $0x38;
	[tilespmem:$0x1F800] =	vst v63  }
0x90: {  	_ =	swait.ge [sflag:s5], $0x2800  }
0x91: {  	[sflag:s5] =	ssyncset.done $0x0  }
0x92: {  	s23 =	sadd.s32 $0x200, s22;
	[sflag:s5] =	ssyncadd.s32 $0xFFFFD800  }
0x93: {  	[spmem:s1] =	stream.indirect.scatter.add.f32 [tilespmem:s30], [sflag:$0x5], $0x80, s23, s6, $0xb8;
	[tilespmem:$0x1F800] =	vst v63  }
0x94: {  	_ =	swait.ge [sflag:s15], $0x2800  }
0x95: {  	[sflag:s15] =	ssyncset.done $0x0  }
0x96: {  	s23 =	sadd.s32 $0x500, s21;
	[sflag:s15] =	ssyncadd.s32 $0xFFFFD800  }
0x97: {  	[tilespmem:s29], [sflag:$0x1] =	stream.linear.gather [hbm4b:s23+s2], $0x2800, $0x38;
	[tilespmem:$0x1F800] =	vst v63  }
0x98: {  	_ =	swait.ge [sflag:s16], $0x2800  }
0x99: {  	[sflag:s16] =	ssyncset.done $0x0  }
.Ltmp1:
0x9a: {  	s22 =	sadd.s32 $0x280, s22;
	[sflag:s16] =	ssyncadd.s32 $0xFFFFD800;
	(pc) =	sbr.rel @p0 .LBB2_4-.Ltmp1, $4  }
0x9b: {  	[spmem:s1] =	stream.indirect.scatter.add.f32 [tilespmem:s31], [sflag:$0x6], $0x80, s22, s6, $0xb8;
	[tilespmem:$0x1F800] =	vst v63  }
0x9c: {  	_ =	swait.ge [sflag:s17], $0x2800  }
0x9d: {  	[sflag:s17] =	ssyncset.done $0x0  }
0x9e: {  	s22 =	sadd.s32 $0xA00, s21;
	s21 =	sadd.s32 $0xF00, s21;
	[sflag:s17] =	ssyncadd.s32 $0xFFFFD800  }
0x9f: {  	[tilespmem:s30], [sflag:$0x2] =	stream.linear.gather [hbm4b:s22+s2], $0x2800, $0x38;
	[tilespmem:$0x1F800] =	vst v63  }
0xa0: {  	_ =	swait.ge [sflag:s4], $0x2800  }
0xa1: {  	[sflag:s4] =	ssyncset.done $0x0  }
0xa2: {  	s20 =	simm.s32 $0x3D80;
	[sflag:s4] =	ssyncadd.s32 $0xFFFFD800  }
0xa3: {  	[spmem:s1] =	stream.indirect.scatter.add.f32 [tilespmem:s29], [sflag:$0x4], $0x80, s20, s6, $0xb8;
	[tilespmem:$0x1F800] =	vst v63  }
0xa4: {  	_ =	swait.ge [sflag:s5], $0x2800  }
0xa5: {  	[sflag:s5] =	ssyncset.done $0x0  }
0xa6: {  	s23 =	simm.s32 $0x3E00;
	[sflag:s5] =	ssyncadd.s32 $0xFFFFD800  }
0xa7: {  	[spmem:s1] =	stream.indirect.scatter.add.f32 [tilespmem:s30], [sflag:$0x5], $0x80, s23, s6, $0xb8;
	[tilespmem:$0x1F800] =	vst v63  }
0xa8: {  	_ =	swait.ge [sflag:s18], $0x2800  }
0xa9: {  	[sflag:s18] =	ssyncset.done $0x0  }
0xaa: {  	[sflag:s18] =	ssyncadd.s32 $0xFFFFD800  }
0xab: {  	_ =	swait.ge [sflag:s15], $0x2800  }
0xac: {  	[sflag:s15] =	ssyncset.done $0x0  }
0xad: {  	[sflag:s15] =	ssyncadd.s32 $0xFFFFD800  }
0xae: {  	_ =	swait.ge [sflag:s17], $0x2800  }
0xaf: {  	[sflag:s17] =	ssyncset.done $0x0  }
0xb0: {  	[sflag:s17] =	ssyncadd.s32 $0xFFFFD800  }
0xb1: {  	[bflag:$0x0] =	sbarrier.arrive $0xFFFF  }
0xb2: {  	[tilespmem:s29], [sflag:$0x8] =	stream.linear.gather [spmem:s7], $0x2800, $0x38;
	[tilespmem:$0x1F800] =	vst v63  }
0xb3: {  	_ =	swait.ge [sflag:s0], $0x2800  }
0xb4: {  	[sflag:s0] =	ssyncset.done $0x0  }
0xb5: {  	s21 =	rddreg [dreg:$0x8];
	[sflag:s0] =	ssyncadd.s32 $0xFFFFD800  }
0xb6: {  	[hbm4b:s21+s2] =	stream.linear.scatter [tilespmem:s29], [sflag:$0x1], $0x2800, $0x38;
	[tilespmem:$0x1F800] =	vst v63  }
0xb7: {  	_ = 	snop  }
0xb8: {  	[tilespmem:s30], [sflag:$0x8] =	stream.linear.gather [spmem:s8], $0x2800, $0x38;
	[tilespmem:$0x1F800] =	vst v63  }
0xb9: {  	_ =	swait.ge [sflag:s0], $0x2800  }
0xba: {  	[sflag:s0] =	ssyncset.done $0x0  }
0xbb: {  	s22 =	rddreg [dreg:$0x9];
	[sflag:s0] =	ssyncadd.s32 $0xFFFFD800  }
0xbc: {  	[hbm4b:s22+s2] =	stream.linear.scatter [tilespmem:s30], [sflag:$0x2], $0x2800, $0x38;
	[tilespmem:$0x1F800] =	vst v63  }
0xbd: {  	_ = 	snop  }
0xbe: {  	[tilespmem:s31], [sflag:$0x8] =	stream.linear.gather [spmem:s9], $0x2800, $0x38;
	[tilespmem:$0x1F800] =	vst v63  }
0xbf: {  	_ =	swait.ge [sflag:s0], $0x2800  }
0xc0: {  	[sflag:s0] =	ssyncset.done $0x0  }
0xc1: {  	s23 =	rddreg [dreg:$0xa];
	[sflag:s0] =	ssyncadd.s32 $0xFFFFD800  }
0xc2: {  	[hbm4b:s23+s2] =	stream.linear.scatter [tilespmem:s31], [sflag:$0x3], $0x2800, $0x38;
	[tilespmem:$0x1F800] =	vst v63  }
0xc3: {  	_ =	swait.ge [sflag:s4], $0x2800  }
0xc4: {  	[sflag:s4] =	ssyncset.done $0x0  }
0xc5: {  	[sflag:s4] =	ssyncadd.s32 $0xFFFFD800  }
0xc6: {  	[tilespmem:s29], [sflag:$0x8] =	stream.linear.gather [spmem:s10], $0x2800, $0x38;
	[tilespmem:$0x1F800] =	vst v63  }
0xc7: {  	_ =	swait.ge [sflag:s0], $0x2800  }
0xc8: {  	[sflag:s0] =	ssyncset.done $0x0  }
0xc9: {  	s21 =	rddreg [dreg:$0xb];
	[sflag:s0] =	ssyncadd.s32 $0xFFFFD800  }
0xca: {  	[hbm4b:s21+s2] =	stream.linear.scatter [tilespmem:s29], [sflag:$0x1], $0x2800, $0x38;
	[tilespmem:$0x1F800] =	vst v63  }
0xcb: {  	_ =	swait.ge [sflag:s5], $0x2800  }
0xcc: {  	[sflag:s5] =	ssyncset.done $0x0  }
0xcd: {  	[sflag:s5] =	ssyncadd.s32 $0xFFFFD800  }
0xce: {  	[tilespmem:s30], [sflag:$0x8] =	stream.linear.gather [spmem:s11], $0x2800, $0x38;
	[tilespmem:$0x1F800] =	vst v63  }
0xcf: {  	_ =	swait.ge [sflag:s0], $0x2800  }
0xd0: {  	[sflag:s0] =	ssyncset.done $0x0  }
0xd1: {  	s22 =	rddreg [dreg:$0xc];
	[sflag:s0] =	ssyncadd.s32 $0xFFFFD800  }
0xd2: {  	[hbm4b:s22+s2] =	stream.linear.scatter [tilespmem:s30], [sflag:$0x2], $0x2800, $0x38;
	[tilespmem:$0x1F800] =	vst v63  }
0xd3: {  	_ =	swait.ge [sflag:s16], $0x2800  }
0xd4: {  	[sflag:s16] =	ssyncset.done $0x0  }
0xd5: {  	[sflag:s16] =	ssyncadd.s32 $0xFFFFD800  }
0xd6: {  	[tilespmem:s31], [sflag:$0x8] =	stream.linear.gather [spmem:s12], $0x2800, $0x38;
	[tilespmem:$0x1F800] =	vst v63  }
0xd7: {  	_ =	swait.ge [sflag:s0], $0x2800  }
0xd8: {  	[sflag:s0] =	ssyncset.done $0x0  }
0xd9: {  	s23 =	rddreg [dreg:$0xd];
	[sflag:s0] =	ssyncadd.s32 $0xFFFFD800  }
0xda: {  	[hbm4b:s23+s2] =	stream.linear.scatter [tilespmem:s31], [sflag:$0x3], $0x2800, $0x38;
	[tilespmem:$0x1F800] =	vst v63  }
0xdb: {  	_ =	swait.ge [sflag:s4], $0x2800  }
0xdc: {  	[sflag:s4] =	ssyncset.done $0x0  }
0xdd: {  	[sflag:s4] =	ssyncadd.s32 $0xFFFFD800  }
0xde: {  	[tilespmem:s29], [sflag:$0x8] =	stream.linear.gather [spmem:s13], $0x2800, $0x38;
	[tilespmem:$0x1F800] =	vst v63  }
0xdf: {  	_ =	swait.ge [sflag:s0], $0x2800  }
0xe0: {  	[sflag:s0] =	ssyncset.done $0x0  }
0xe1: {  	s21 =	rddreg [dreg:$0xe];
	[sflag:s0] =	ssyncadd.s32 $0xFFFFD800  }
0xe2: {  	[hbm4b:s21+s2] =	stream.linear.scatter [tilespmem:s29], [sflag:$0x1], $0x2800, $0x38;
	[tilespmem:$0x1F800] =	vst v63  }
0xe3: {  	_ =	swait.ge [sflag:s5], $0x2800  }
0xe4: {  	[sflag:s5] =	ssyncset.done $0x0  }
0xe5: {  	[sflag:s5] =	ssyncadd.s32 $0xFFFFD800  }
0xe6: {  	[tilespmem:s30], [sflag:$0x8] =	stream.linear.gather [spmem:s14], $0x2800, $0x38;
	[tilespmem:$0x1F800] =	vst v63  }
0xe7: {  	_ =	swait.ge [sflag:s0], $0x2800  }
0xe8: {  	[sflag:s0] =	ssyncset.done $0x0  }
0xe9: {  	s22 =	rddreg [dreg:$0xf];
	[sflag:s0] =	ssyncadd.s32 $0xFFFFD800  }
0xea: {  	[hbm4b:s22+s2] =	stream.linear.scatter [tilespmem:s30], [sflag:$0x2], $0x2800, $0x38;
	[tilespmem:$0x1F800] =	vst v63  }
0xeb: {  	_ =	swait.ge [sflag:s16], $0x2800  }
0xec: {  	[sflag:s16] =	ssyncset.done $0x0  }
0xed: {  	[sflag:s16] =	ssyncadd.s32 $0xFFFFD800  }
0xee: {  	_ =	swait.ge [sflag:s4], $0x2800  }
0xef: {  	[sflag:s4] =	ssyncset.done $0x0  }
0xf0: {  	[sflag:s4] =	ssyncadd.s32 $0xFFFFD800  }
0xf1: {  	_ =	swait.ge [sflag:s5], $0x2800  }
0xf2: {  	s19 =	sadd.s32 $0x1, s19;
	s23 =	rddreg [dreg:$0x7]  }
0xf3: {  	p0 =	sne.s32 s19, s23  }
.Ltmp2:
0xf4: {  	_ = 	snop;
	(pc) =	sbr.rel @p0 .LBB2_1-.Ltmp2, $3  }
0xf5: {  	_ =	sdelay $0x1  }
0xf6: {  	[sflag:s5] =	ssyncset.done $0x0  }
0xf7: {  	[sflag:s5] =	ssyncadd.s32 $0xFFFFD800  }
0xf8: {  	_ =	sfence.sel $0x180000  }
0xf9: {  	[bflag:$0x0] =	sbarrier.arrive $0xFFFF  }
0xfa: {  	_ =	strace $0x90000047  }
0xfb: {  	s0 =	stileid.u32;
	[bflag:$0x2] =	sbarrier.arrive $0xFFFF  }
0xfc: {  	p0 =	sne.s32 s0, $0x0;
	s0 =	rddreg [dreg:$0x4]  }
0xfd: {  	s0 =	sadd.s32 @!p0 $0x100000, s0  }
0xfe: {  	[sflag:s0] =	ssyncadd.tile.s32 @!p0 $0x1;
	_ =	shalt  }
.Lfunc_end2:
_tile_overlayer_lowered:
.L_overlay_start_2:
0xff: {  	(tag) =	ssettag $0x2  }
0x100: {  	s0 =	rddreg [dreg:$0x0];
	s2 =	stileid.u32  }
0x101: {  	s1 =	rddreg [dreg:$0x1];
	p0 =	sne.s32 s2, $0x0  }
0x102: {  	s3 =	rddreg [dreg:$0x2];
	[bflag:$0x3] =	sbarrier.arrive $0xFFFF;
	s2 =	simm.s32 @!p0 $0x1C08  }
0x103: {  	[timem:s3], [sflag:s2] =	dma.local @!p0 [hbm:s0], s1  }
0x104: {  	s0 =	simm.s32 @!p0 $0x8  }
0x105: {  	_ =	swait.ge @!p0 [sflag:s0], s1  }
0x106: {  	s1 =	ssub.s32 @!p0 $0x0, s1;
	[sflag:s0] =	ssyncset.done @!p0 $0x0  }
0x107: {  	[sflag:s0] =	ssyncadd.s32 @!p0 s1  }
0x108: {  	[bflag:$0x3] =	sbarrier.arrive $0xFFFF  }
0x109: {  	_ =	shalt  }

</sc_bundles>
